<compile_context>
chip_gen: v7x
topology: tpu7x:2x2x1
jax: 0.10.2.dev20260603
libtpu: 0.0.44.dev20260713+nightly
codegen_flags: <defaults>
</compile_context>

<pallas_src>
import functools

import jax
import jax.numpy as jnp
from jax import lax
from jax.experimental import pallas as pl
from jax.experimental.pallas import tpu as pltpu
from jax.experimental.pallas import tpu_sc as plsc

N = 10000
E = 320000
D = 128
H = 64
C = 2

NUM_CORES = 2
NUM_SUBCORES = 16
NW = NUM_CORES * NUM_SUBCORES
LANES = 16

EDGE_TILE = 128
NTILES = E // EDGE_TILE
BASE_TILES = NTILES // NW
EXTRA = NTILES - BASE_TILES * NW
MAX_EDGES = (BASE_TILES + 1) * EDGE_TILE
BASE_EDGES = BASE_TILES * EDGE_TILE



def _dense_body(x_ref, w1_ref, b1_ref, w2_ref, b2_ref, wc_ref,
                att_ref, z0_ref, z1_ref, info_ref):
    x = x_ref[...]
    hT = jnp.maximum(
        lax.dot_general(w1_ref[...], x, (((0,), (1,)), ((), ())),
                        preferred_element_type=jnp.float32)
        + b1_ref[...][:, None], 0.0)
    logit = lax.dot_general(w2_ref[...], hT, (((0,), (0,)), ((), ())),
                            preferred_element_type=jnp.float32) + b2_ref[0]
    att = jax.nn.sigmoid(logit)
    xwT = lax.dot_general(wc_ref[...], x, (((0,), (1,)), ((), ())),
                          preferred_element_type=jnp.float32)
    att_ref[...] = att.reshape(N)
    z0_ref[...] = (att * xwT[0:1, :]).reshape(N)
    z1_ref[...] = (att * xwT[1:2, :]).reshape(N)
    r = 0.7
    t = att * jnp.log(att / r + 1e-06) + (1.0 - att) * jnp.log((1.0 - att) / (1.0 - r + 1e-06) + 1e-06)
    info_ref[...] = jnp.reshape(jnp.sum(t) / float(N), (1, 1))


def _dense_head(x, W1, b1, W2, b2, Wc):
    return pl.pallas_call(
        _dense_body,
        out_shape=(
            jax.ShapeDtypeStruct((N,), jnp.float32),
            jax.ShapeDtypeStruct((N,), jnp.float32),
            jax.ShapeDtypeStruct((N,), jnp.float32),
            jax.ShapeDtypeStruct((1, 1), jnp.float32),
        ),
    )(x, W1, b1, W2, b2, Wc)



def _sc_body(ei_hbm, att_hbm, z0_hbm, z1_hbm,
             ea_hbm, p0_hbm, p1_hbm,
             ei_v, att_v, z0_v, z1_v, ea_v, zb0_v, zb1_v, acc0_v, acc1_v, sem):
    wid = lax.axis_index("s") * NUM_CORES + lax.axis_index("c")
    ntiles = BASE_TILES + jnp.where(wid < EXTRA, 1, 0)
    base_tile = BASE_TILES * wid + jnp.minimum(wid, EXTRA)
    base_ed = base_tile * EDGE_TILE
    base_eff = jnp.minimum(base_ed, E - MAX_EDGES)
    off = base_ed - base_eff

    cps = [
        pltpu.async_copy(ei_hbm.at[:, pl.ds(base_eff, MAX_EDGES)], ei_v, sem),
        pltpu.async_copy(att_hbm, att_v, sem),
        pltpu.async_copy(z0_hbm, z0_v, sem),
        pltpu.async_copy(z1_hbm, z1_v, sem),
    ]

    def zero_body(i, carry):
        zv = jnp.zeros((LANES,), jnp.float32)
        for k in range(5):
            acc0_v[pl.ds((i * 5 + k) * LANES, LANES)] = zv
            acc1_v[pl.ds((i * 5 + k) * LANES, LANES)] = zv
        return carry

    lax.fori_loop(0, N // (LANES * 5), zero_body, 0)
    for cp in cps:
        cp.wait()

    NG = EDGE_TILE // LANES

    def edge_tile(i, carry):
        starts = [off + i * EDGE_TILE + k * LANES for k in range(NG)]
        ss = [ei_v[0, pl.ds(st, LANES)] for st in starts]
        ts = [ei_v[1, pl.ds(st, LANES)] for st in starts]
        a_s = [plsc.load_gather(att_v, [s]) for s in ss]
        a_t = [plsc.load_gather(att_v, [t]) for t in ts]
        zs0 = [plsc.load_gather(z0_v, [s]) for s in ss]
        zs1 = [plsc.load_gather(z1_v, [s]) for s in ss]
        for k in range(NG):
            ea_v[pl.ds(starts[k], LANES)] = a_s[k] * a_t[k]
        for k in range(NG):
            plsc.addupdate_scatter(acc0_v, [ts[k]], zs0[k])
            plsc.addupdate_scatter(acc1_v, [ts[k]], zs1[k])
        return carry

    lax.fori_loop(0, ntiles, edge_tile, 0)

    pltpu.sync_copy(ea_v.at[pl.ds(off, BASE_EDGES)],
                    ea_hbm.at[pl.ds(base_ed, BASE_EDGES)])

    @pl.when(ntiles == BASE_TILES + 1)
    def _():
        pltpu.sync_copy(ea_v.at[pl.ds(off + BASE_EDGES, EDGE_TILE)],
                        ea_hbm.at[pl.ds(base_ed + BASE_EDGES, EDGE_TILE)])

    pltpu.sync_copy(acc0_v, p0_hbm.at[wid])
    pltpu.sync_copy(acc1_v, p1_hbm.at[wid])


_sc_edges = functools.partial(
    pl.kernel,
    out_type=(
        jax.ShapeDtypeStruct((E,), jnp.float32),
        jax.ShapeDtypeStruct((NW, N), jnp.float32),
        jax.ShapeDtypeStruct((NW, N), jnp.float32),
    ),
    mesh=plsc.VectorSubcoreMesh(core_axis_name="c", subcore_axis_name="s"),
    compiler_params=pltpu.CompilerParams(needs_layout_passes=False),
    scratch_types=[
        pltpu.VMEM((2, MAX_EDGES), jnp.int32),
        pltpu.VMEM((N,), jnp.float32),
        pltpu.VMEM((N,), jnp.float32),
        pltpu.VMEM((N,), jnp.float32),
        pltpu.VMEM((MAX_EDGES,), jnp.float32),
        pltpu.VMEM((MAX_EDGES,), jnp.float32),
        pltpu.VMEM((MAX_EDGES,), jnp.float32),
        pltpu.VMEM((N,), jnp.float32),
        pltpu.VMEM((N,), jnp.float32),
        pltpu.SemaphoreType.DMA,
    ],
)(_sc_body)



def _combine_body(p0_ref, p1_ref, att_ref, bc_ref, clf_ref):
    att = att_ref[...][None, :]
    K8 = 2 * NW + 8
    pa = jnp.concatenate(
        [p0_ref[...] * att, p1_ref[...] * att,
         jnp.ones((1, N), jnp.float32),
         jnp.zeros((7, N), jnp.float32)], axis=0)
    rows = lax.broadcasted_iota(jnp.int32, (K8, C), 0)
    cols = lax.broadcasted_iota(jnp.int32, (K8, C), 1)
    bc_row = jnp.where(cols == 0, bc_ref[0], bc_ref[1])
    sel = jnp.where(rows == 2 * NW, bc_row,
                    jnp.where(rows > 2 * NW, 0.0,
                              jnp.where((rows < NW) == (cols == 0), 1.0, 0.0)))
    clf_ref[...] = lax.dot_general(pa, sel, (((0,), (0,)), ((), ())),
                                   preferred_element_type=jnp.float32)


def _combine(p0, p1, att1, bc):
    return pl.pallas_call(
        _combine_body,
        in_specs=[
            pl.BlockSpec(memory_space=pltpu.VMEM),
            pl.BlockSpec(memory_space=pltpu.VMEM),
            pl.BlockSpec(memory_space=pltpu.VMEM),
            pl.BlockSpec(memory_space=pltpu.SMEM),
        ],
        out_shape=jax.ShapeDtypeStruct((N, C), jnp.float32),
    )(p0, p1, att1, bc)



def kernel(x, edge_index, W1, b1, W2, b2, Wc, bc):
    att1, z0, z1, info = _dense_head(x, W1, b1, W2, b2, Wc)
    edge_att, p0, p1 = _sc_edges(edge_index, att1, z0, z1)
    clf_logits = _combine(p0, p1, att1, bc)
    return clf_logits, edge_att, info[0, 0]

# --- scband reference (transcript-rebuilt; emitter-appended) ---
"""Pipeline reference for scband-gsat-39470749450421 (READ-ONLY COPY).

The authoritative reference and input builder live on the scoring server;
editing this copy changes nothing except your own understanding.
"""

import jax, jax.numpy as jnp
import numpy as np

N = 10000
E = 320000
D = 128
H = 64
C = 2


def setup_inputs(seed: int = 0) -> dict:
    key = jax.random.key(seed)
    ks = jax.random.split(key, 8)
    x = jax.random.normal(ks[0], (N, D), dtype=jnp.float32)
    edge_index = jax.random.randint(ks[1], (2, E), 0, N, dtype=jnp.int32)
    # extractor MLP params (att_log_logits head)
    W1 = jax.random.normal(ks[2], (D, H), dtype=jnp.float32) * (1.0 / np.sqrt(D))
    b1 = jnp.zeros((H,), dtype=jnp.float32)
    W2 = jax.random.normal(ks[3], (H, 1), dtype=jnp.float32) * (1.0 / np.sqrt(H))
    b2 = jnp.zeros((1,), dtype=jnp.float32)
    # clf output head params
    Wc = jax.random.normal(ks[4], (D, C), dtype=jnp.float32) * (1.0 / np.sqrt(D))
    bc = jnp.zeros((C,), dtype=jnp.float32)
    return {"x": x, "edge_index": edge_index, "W1": W1, "b1": b1, "W2": W2, "b2": b2, "Wc": Wc, "bc": bc}


def reference(x, edge_index, W1, b1, W2, b2, Wc, bc):
    # extractor: node-level attention logits
    h = jax.nn.relu(x @ W1 + b1)
    att_log_logits = h @ W2 + b2  # [N, 1]
    # GSAT.sampling with training=False: plain sigmoid
    att = jax.nn.sigmoid(att_log_logits)
    node_att = att[:, 0]
    # learn_edge_att=False -> lift_node_att_to_edge_att
    src = edge_index[0]
    dst = edge_index[1]
    src_lifted_att = node_att[src]
    dst_lifted_att = node_att[dst]
    edge_att = src_lifted_att * dst_lifted_att  # [E]
    # clf with edge_atten: attention-weighted message passing (gather + scatter-add)
    msg = x[src] * edge_att[:, None]  # [E, D]
    agg = jax.ops.segment_sum(msg, dst, num_segments=x.shape[0])  # [N, D]
    clf_logits = agg @ Wc + bc  # [N, C]
    # info loss with r = final_r = 0.7 (epoch past decay schedule floor)
    r = 0.7
    info_loss = (att * jnp.log(att / r + 1e-06) + (1 - att) * jnp.log((1 - att) / (1 - r + 1e-06) + 1e-06)).mean()
    return clf_logits, edge_att, info_loss

if __name__ == "__main__":
    import jax
    _d = setup_inputs()
    print(jax.jit(kernel)(*tuple(_d.values())))

</pallas_src>

<mosaic_0001>
#map = affine_map<(d0, d1) -> (0, 0)>
#map1 = affine_map<(d0, d1) -> (0)>
module attributes {stable_mosaic.version = 14 : i64} {
  func.func @_sc_body(%arg0: i32, %arg1: i32, %arg2: memref<2x320000xi32, #tpu.memory_space<hbm>>, %arg3: memref<10000xf32, #tpu.memory_space<hbm>>, %arg4: memref<10000xf32, #tpu.memory_space<hbm>>, %arg5: memref<10000xf32, #tpu.memory_space<hbm>>, %arg6: memref<320000xf32, #tpu.memory_space<hbm>>, %arg7: memref<32x10000xf32, #tpu.memory_space<hbm>>, %arg8: memref<32x10000xf32, #tpu.memory_space<hbm>>, %arg9: memref<2x10112xi32, #tpu.memory_space<vmem>>, %arg10: memref<10000xf32, #tpu.memory_space<vmem>>, %arg11: memref<10000xf32, #tpu.memory_space<vmem>>, %arg12: memref<10000xf32, #tpu.memory_space<vmem>>, %arg13: memref<10112xf32, #tpu.memory_space<vmem>>, %arg14: memref<10112xf32, #tpu.memory_space<vmem>>, %arg15: memref<10112xf32, #tpu.memory_space<vmem>>, %arg16: memref<10000xf32, #tpu.memory_space<vmem>>, %arg17: memref<10000xf32, #tpu.memory_space<vmem>>, %arg18: memref<!tpu.dma_semaphore, #tpu.memory_space<semaphore_mem>>) attributes {dimension_semantics = [#tpu.dimension_semantics<core_parallel>, #tpu.dimension_semantics<subcore_parallel>], iteration_bounds = array<i64: 2, 16>, scalar_prefetch = 0 : i64, scratch_operands = 10 : i64, tpu.core_type = #tpu.core_type<sc_vector_subcore>, window_params = [{transform_indices = #map}, {transform_indices = #map1}, {transform_indices = #map1}, {transform_indices = #map1}, {transform_indices = #map1}, {transform_indices = #map}, {transform_indices = #map}]} {
    %mul3A = arith.constant 2 : i32
    %mul3A_0 = arith.muli %arg1, %mul3A : i32
    %add3A = arith.addi %mul3A_0, %arg0 : i32
    %lt3A = arith.constant 4 : i32
    %lt3A_1 = arith.cmpi slt, %add3A, %lt3A : i32
    %jit3A = arith.constant 1 : i32
    %jit3A_2 = arith.constant 0 : i32
    %select_n3A = arith.select %lt3A_1, %jit3A, %jit3A_2 : i32
    %add3A_3 = arith.constant 78 : i32
    %add3A_4 = arith.addi %add3A_3, %select_n3A : i32
    %mul3A_5 = arith.constant 78 : i32
    %mul3A_6 = arith.muli %mul3A_5, %add3A : i32
    %min3A = arith.constant 4 : i32
    %min3A_7 = arith.minsi %add3A, %min3A : i32
    %add3A_8 = arith.addi %mul3A_6, %min3A_7 : i32
    %mul3A_9 = arith.constant 128 : i32
    %mul3A_10 = arith.muli %add3A_8, %mul3A_9 : i32
    %min3A_11 = arith.constant 309888 : i32
    %min3A_12 = arith.minsi %mul3A_10, %min3A_11 : i32
    %sub3A = arith.subi %mul3A_10, %min3A_12 : i32
    %dma_start3A = arith.constant 0 : i32
    %dma_start3A_13 = tpu.memref_slice %arg2[%dma_start3A, %min3A_12] : memref<2x320000xi32, #tpu.memory_space<hbm>> -> memref<2x10112xi32, #tpu.memory_space<hbm>>
    %dma_start3A_14 = arith.constant 0 : i32
    %dma_start3A_15 = tpu.memref_slice %arg2[%dma_start3A_14, %min3A_12] : memref<2x320000xi32, #tpu.memory_space<hbm>> -> memref<2x10112xi32, #tpu.memory_space<hbm>>
    tpu.enqueue_dma source(%dma_start3A_15 : memref<2x10112xi32, #tpu.memory_space<hbm>>) target(%arg9 : memref<2x10112xi32, #tpu.memory_space<vmem>>) target_semaphore(%arg18 : memref<!tpu.dma_semaphore, #tpu.memory_space<semaphore_mem>>)
    tpu.enqueue_dma source(%arg3 : memref<10000xf32, #tpu.memory_space<hbm>>) target(%arg10 : memref<10000xf32, #tpu.memory_space<vmem>>) target_semaphore(%arg18 : memref<!tpu.dma_semaphore, #tpu.memory_space<semaphore_mem>>)
    tpu.enqueue_dma source(%arg4 : memref<10000xf32, #tpu.memory_space<hbm>>) target(%arg11 : memref<10000xf32, #tpu.memory_space<vmem>>) target_semaphore(%arg18 : memref<!tpu.dma_semaphore, #tpu.memory_space<semaphore_mem>>)
    tpu.enqueue_dma source(%arg5 : memref<10000xf32, #tpu.memory_space<hbm>>) target(%arg12 : memref<10000xf32, #tpu.memory_space<vmem>>) target_semaphore(%arg18 : memref<!tpu.dma_semaphore, #tpu.memory_space<semaphore_mem>>)
    %scan3A = arith.constant 0 : i32
    %scan3A_16 = arith.constant 0 : i32
    %scan3A_17 = arith.constant 125 : i32
    %scan3A_18 = arith.addi %scan3A_16, %scan3A_17 : i32
    %scan3A_19 = arith.constant 1 : i32
    scf.for %scan3A_35 = %scan3A_16 to %scan3A_18 step %scan3A_19  : i32 {
      %broadcast_in_dim3A = arith.constant 0.000000e+00 : f32
      %broadcast_in_dim3A_36 = vector.broadcast %broadcast_in_dim3A : f32 to vector<16xf32>
      %mul3A_37 = arith.constant 5 : i32
      %mul3A_38 = arith.muli %scan3A_35, %mul3A_37 : i32
      %add3A_39 = arith.constant 0 : i32
      %add3A_40 = arith.addi %mul3A_38, %add3A_39 : i32
      %mul3A_41 = arith.constant 16 : i32
      %mul3A_42 = arith.muli %add3A_40, %mul3A_41 : i32
      %swap3A = arith.index_cast %mul3A_42 : i32 to index
      %swap3A_43 = tpu.vector_load %arg16[%swap3A] {strides = array<i32>} : memref<10000xf32, #tpu.memory_space<vmem>>, vector<16xf32>,
      tpu.vector_store %arg16[%swap3A], %broadcast_in_dim3A_36 {strides = array<i32>} : memref<10000xf32, #tpu.memory_space<vmem>>, vector<16xf32>,
      %mul3A_44 = arith.constant 5 : i32
      %mul3A_45 = arith.muli %scan3A_35, %mul3A_44 : i32
      %add3A_46 = arith.constant 0 : i32
      %add3A_47 = arith.addi %mul3A_45, %add3A_46 : i32
      %mul3A_48 = arith.constant 16 : i32
      %mul3A_49 = arith.muli %add3A_47, %mul3A_48 : i32
      %swap3A_50 = arith.index_cast %mul3A_49 : i32 to index
      %swap3A_51 = tpu.vector_load %arg17[%swap3A_50] {strides = array<i32>} : memref<10000xf32, #tpu.memory_space<vmem>>, vector<16xf32>,
      tpu.vector_store %arg17[%swap3A_50], %broadcast_in_dim3A_36 {strides = array<i32>} : memref<10000xf32, #tpu.memory_space<vmem>>, vector<16xf32>,
      %mul3A_52 = arith.constant 5 : i32
      %mul3A_53 = arith.muli %scan3A_35, %mul3A_52 : i32
      %add3A_54 = arith.constant 1 : i32
      %add3A_55 = arith.addi %mul3A_53, %add3A_54 : i32
      %mul3A_56 = arith.constant 16 : i32
      %mul3A_57 = arith.muli %add3A_55, %mul3A_56 : i32
      %swap3A_58 = arith.index_cast %mul3A_57 : i32 to index
      %swap3A_59 = tpu.vector_load %arg16[%swap3A_58] {strides = array<i32>} : memref<10000xf32, #tpu.memory_space<vmem>>, vector<16xf32>,
      tpu.vector_store %arg16[%swap3A_58], %broadcast_in_dim3A_36 {strides = array<i32>} : memref<10000xf32, #tpu.memory_space<vmem>>, vector<16xf32>,
      %mul3A_60 = arith.constant 5 : i32
      %mul3A_61 = arith.muli %scan3A_35, %mul3A_60 : i32
      %add3A_62 = arith.constant 1 : i32
      %add3A_63 = arith.addi %mul3A_61, %add3A_62 : i32
      %mul3A_64 = arith.constant 16 : i32
      %mul3A_65 = arith.muli %add3A_63, %mul3A_64 : i32
      %swap3A_66 = arith.index_cast %mul3A_65 : i32 to index
      %swap3A_67 = tpu.vector_load %arg17[%swap3A_66] {strides = array<i32>} : memref<10000xf32, #tpu.memory_space<vmem>>, vector<16xf32>,
      tpu.vector_store %arg17[%swap3A_66], %broadcast_in_dim3A_36 {strides = array<i32>} : memref<10000xf32, #tpu.memory_space<vmem>>, vector<16xf32>,
      %mul3A_68 = arith.constant 5 : i32
      %mul3A_69 = arith.muli %scan3A_35, %mul3A_68 : i32
      %add3A_70 = arith.constant 2 : i32
      %add3A_71 = arith.addi %mul3A_69, %add3A_70 : i32
      %mul3A_72 = arith.constant 16 : i32
      %mul3A_73 = arith.muli %add3A_71, %mul3A_72 : i32
      %swap3A_74 = arith.index_cast %mul3A_73 : i32 to index
      %swap3A_75 = tpu.vector_load %arg16[%swap3A_74] {strides = array<i32>} : memref<10000xf32, #tpu.memory_space<vmem>>, vector<16xf32>,
      tpu.vector_store %arg16[%swap3A_74], %broadcast_in_dim3A_36 {strides = array<i32>} : memref<10000xf32, #tpu.memory_space<vmem>>, vector<16xf32>,
      %mul3A_76 = arith.constant 5 : i32
      %mul3A_77 = arith.muli %scan3A_35, %mul3A_76 : i32
      %add3A_78 = arith.constant 2 : i32
      %add3A_79 = arith.addi %mul3A_77, %add3A_78 : i32
      %mul3A_80 = arith.constant 16 : i32
      %mul3A_81 = arith.muli %add3A_79, %mul3A_80 : i32
      %swap3A_82 = arith.index_cast %mul3A_81 : i32 to index
      %swap3A_83 = tpu.vector_load %arg17[%swap3A_82] {strides = array<i32>} : memref<10000xf32, #tpu.memory_space<vmem>>, vector<16xf32>,
      tpu.vector_store %arg17[%swap3A_82], %broadcast_in_dim3A_36 {strides = array<i32>} : memref<10000xf32, #tpu.memory_space<vmem>>, vector<16xf32>,
      %mul3A_84 = arith.constant 5 : i32
      %mul3A_85 = arith.muli %scan3A_35, %mul3A_84 : i32
      %add3A_86 = arith.constant 3 : i32
      %add3A_87 = arith.addi %mul3A_85, %add3A_86 : i32
      %mul3A_88 = arith.constant 16 : i32
      %mul3A_89 = arith.muli %add3A_87, %mul3A_88 : i32
      %swap3A_90 = arith.index_cast %mul3A_89 : i32 to index
      %swap3A_91 = tpu.vector_load %arg16[%swap3A_90] {strides = array<i32>} : memref<10000xf32, #tpu.memory_space<vmem>>, vector<16xf32>,
      tpu.vector_store %arg16[%swap3A_90], %broadcast_in_dim3A_36 {strides = array<i32>} : memref<10000xf32, #tpu.memory_space<vmem>>, vector<16xf32>,
      %mul3A_92 = arith.constant 5 : i32
      %mul3A_93 = arith.muli %scan3A_35, %mul3A_92 : i32
      %add3A_94 = arith.constant 3 : i32
      %add3A_95 = arith.addi %mul3A_93, %add3A_94 : i32
      %mul3A_96 = arith.constant 16 : i32
      %mul3A_97 = arith.muli %add3A_95, %mul3A_96 : i32
      %swap3A_98 = arith.index_cast %mul3A_97 : i32 to index
      %swap3A_99 = tpu.vector_load %arg17[%swap3A_98] {strides = array<i32>} : memref<10000xf32, #tpu.memory_space<vmem>>, vector<16xf32>,
      tpu.vector_store %arg17[%swap3A_98], %broadcast_in_dim3A_36 {strides = array<i32>} : memref<10000xf32, #tpu.memory_space<vmem>>, vector<16xf32>,
      %mul3A_100 = arith.constant 5 : i32
      %mul3A_101 = arith.muli %scan3A_35, %mul3A_100 : i32
      %add3A_102 = arith.constant 4 : i32
      %add3A_103 = arith.addi %mul3A_101, %add3A_102 : i32
      %mul3A_104 = arith.constant 16 : i32
      %mul3A_105 = arith.muli %add3A_103, %mul3A_104 : i32
      %swap3A_106 = arith.index_cast %mul3A_105 : i32 to index
      %swap3A_107 = tpu.vector_load %arg16[%swap3A_106] {strides = array<i32>} : memref<10000xf32, #tpu.memory_space<vmem>>, vector<16xf32>,
      tpu.vector_store %arg16[%swap3A_106], %broadcast_in_dim3A_36 {strides = array<i32>} : memref<10000xf32, #tpu.memory_space<vmem>>, vector<16xf32>,
      %mul3A_108 = arith.constant 5 : i32
      %mul3A_109 = arith.muli %scan3A_35, %mul3A_108 : i32
      %add3A_110 = arith.constant 4 : i32
      %add3A_111 = arith.addi %mul3A_109, %add3A_110 : i32
      %mul3A_112 = arith.constant 16 : i32
      %mul3A_113 = arith.muli %add3A_111, %mul3A_112 : i32
      %swap3A_114 = arith.index_cast %mul3A_113 : i32 to index
      %swap3A_115 = tpu.vector_load %arg17[%swap3A_114] {strides = array<i32>} : memref<10000xf32, #tpu.memory_space<vmem>>, vector<16xf32>,
      tpu.vector_store %arg17[%swap3A_114], %broadcast_in_dim3A_36 {strides = array<i32>} : memref<10000xf32, #tpu.memory_space<vmem>>, vector<16xf32>,
    }
    %scan3A_20 = arith.constant 125 : i32
    %dma_wait3A = arith.constant 0 : i32
    %dma_wait3A_21 = tpu.memref_slice %arg2[%dma_wait3A, %min3A_12] : memref<2x320000xi32, #tpu.memory_space<hbm>> -> memref<2x10112xi32, #tpu.memory_space<hbm>>
    %dma_wait3A_22 = arith.constant 0 : i32
    %dma_wait3A_23 = tpu.memref_slice %arg2[%dma_wait3A_22, %min3A_12] : memref<2x320000xi32, #tpu.memory_space<hbm>> -> memref<2x10112xi32, #tpu.memory_space<hbm>>
    tpu.wait_dma2 semaphore(%arg18 : memref<!tpu.dma_semaphore, #tpu.memory_space<semaphore_mem>>) src(%dma_wait3A_23 : memref<2x10112xi32, #tpu.memory_space<hbm>>) dst(%arg9 : memref<2x10112xi32, #tpu.memory_space<vmem>>)
    tpu.wait_dma2 semaphore(%arg18 : memref<!tpu.dma_semaphore, #tpu.memory_space<semaphore_mem>>) src(%arg3 : memref<10000xf32, #tpu.memory_space<hbm>>) dst(%arg10 : memref<10000xf32, #tpu.memory_space<vmem>>)
    tpu.wait_dma2 semaphore(%arg18 : memref<!tpu.dma_semaphore, #tpu.memory_space<semaphore_mem>>) src(%arg4 : memref<10000xf32, #tpu.memory_space<hbm>>) dst(%arg11 : memref<10000xf32, #tpu.memory_space<vmem>>)
    tpu.wait_dma2 semaphore(%arg18 : memref<!tpu.dma_semaphore, #tpu.memory_space<semaphore_mem>>) src(%arg5 : memref<10000xf32, #tpu.memory_space<hbm>>) dst(%arg12 : memref<10000xf32, #tpu.memory_space<vmem>>)
    %while3A = arith.constant 0 : i32
    %while3A_24 = arith.constant 0 : i32
    %while3A_25 = arith.subi %add3A_4, %while3A_24 : i32
    %while3A_26 = arith.addi %while3A_24, %while3A_25 : i32
    %while3A_27 = arith.constant 1 : i32
    %while3A_28 = arith.divsi %while3A_25, %while3A_27 : i32
    %while3A_29 = arith.muli %while3A_28, %while3A_27 : i32
    %while3A_30 = arith.addi %while3A_24, %while3A_29 : i32
    %while3A_31 = arith.constant 1 : i32
    scf.for %while3A_35 = %while3A_24 to %while3A_30 step %while3A_31  : i32 {
      %mul3A_36 = arith.constant 128 : i32
      %mul3A_37 = arith.muli %while3A_35, %mul3A_36 : i32
      %add3A_38 = arith.addi %sub3A, %mul3A_37 : i32
      %add3A_39 = arith.constant 0 : i32
      %add3A_40 = arith.addi %add3A_38, %add3A_39 : i32
      %mul3A_41 = arith.constant 128 : i32
      %mul3A_42 = arith.muli %while3A_35, %mul3A_41 : i32
      %add3A_43 = arith.addi %sub3A, %mul3A_42 : i32
      %add3A_44 = arith.constant 16 : i32
      %add3A_45 = arith.addi %add3A_43, %add3A_44 : i32
      %mul3A_46 = arith.constant 128 : i32
      %mul3A_47 = arith.muli %while3A_35, %mul3A_46 : i32
      %add3A_48 = arith.addi %sub3A, %mul3A_47 : i32
      %add3A_49 = arith.constant 32 : i32
      %add3A_50 = arith.addi %add3A_48, %add3A_49 : i32
      %mul3A_51 = arith.constant 128 : i32
      %mul3A_52 = arith.muli %while3A_35, %mul3A_51 : i32
      %add3A_53 = arith.addi %sub3A, %mul3A_52 : i32
      %add3A_54 = arith.constant 48 : i32
      %add3A_55 = arith.addi %add3A_53, %add3A_54 : i32
      %mul3A_56 = arith.constant 128 : i32
      %mul3A_57 = arith.muli %while3A_35, %mul3A_56 : i32
      %add3A_58 = arith.addi %sub3A, %mul3A_57 : i32
      %add3A_59 = arith.constant 64 : i32
      %add3A_60 = arith.addi %add3A_58, %add3A_59 : i32
      %mul3A_61 = arith.constant 128 : i32
      %mul3A_62 = arith.muli %while3A_35, %mul3A_61 : i32
      %add3A_63 = arith.addi %sub3A, %mul3A_62 : i32
      %add3A_64 = arith.constant 80 : i32
      %add3A_65 = arith.addi %add3A_63, %add3A_64 : i32
      %mul3A_66 = arith.constant 128 : i32
      %mul3A_67 = arith.muli %while3A_35, %mul3A_66 : i32
      %add3A_68 = arith.addi %sub3A, %mul3A_67 : i32
      %add3A_69 = arith.constant 96 : i32
      %add3A_70 = arith.addi %add3A_68, %add3A_69 : i32
      %mul3A_71 = arith.constant 128 : i32
      %mul3A_72 = arith.muli %while3A_35, %mul3A_71 : i32
      %add3A_73 = arith.addi %sub3A, %mul3A_72 : i32
      %add3A_74 = arith.constant 112 : i32
      %add3A_75 = arith.addi %add3A_73, %add3A_74 : i32
      %get3A = arith.constant 0 : i32
      %get3A_76 = arith.index_cast %get3A : i32 to index
      %get3A_77 = arith.index_cast %add3A_40 : i32 to index
      %get3A_78 = tpu.vector_load %arg9[%get3A_76, %get3A_77] {strides = array<i32>} : memref<2x10112xi32, #tpu.memory_space<vmem>>, vector<16xi32>,
      %get3A_79 = arith.constant 0 : i32
      %get3A_80 = arith.index_cast %get3A_79 : i32 to index
      %get3A_81 = arith.index_cast %add3A_45 : i32 to index
      %get3A_82 = tpu.vector_load %arg9[%get3A_80, %get3A_81] {strides = array<i32>} : memref<2x10112xi32, #tpu.memory_space<vmem>>, vector<16xi32>,
      %get3A_83 = arith.constant 0 : i32
      %get3A_84 = arith.index_cast %get3A_83 : i32 to index
      %get3A_85 = arith.index_cast %add3A_50 : i32 to index
      %get3A_86 = tpu.vector_load %arg9[%get3A_84, %get3A_85] {strides = array<i32>} : memref<2x10112xi32, #tpu.memory_space<vmem>>, vector<16xi32>,
      %get3A_87 = arith.constant 0 : i32
      %get3A_88 = arith.index_cast %get3A_87 : i32 to index
      %get3A_89 = arith.index_cast %add3A_55 : i32 to index
      %get3A_90 = tpu.vector_load %arg9[%get3A_88, %get3A_89] {strides = array<i32>} : memref<2x10112xi32, #tpu.memory_space<vmem>>, vector<16xi32>,
      %get3A_91 = arith.constant 0 : i32
      %get3A_92 = arith.index_cast %get3A_91 : i32 to index
      %get3A_93 = arith.index_cast %add3A_60 : i32 to index
      %get3A_94 = tpu.vector_load %arg9[%get3A_92, %get3A_93] {strides = array<i32>} : memref<2x10112xi32, #tpu.memory_space<vmem>>, vector<16xi32>,
      %get3A_95 = arith.constant 0 : i32
      %get3A_96 = arith.index_cast %get3A_95 : i32 to index
      %get3A_97 = arith.index_cast %add3A_65 : i32 to index
      %get3A_98 = tpu.vector_load %arg9[%get3A_96, %get3A_97] {strides = array<i32>} : memref<2x10112xi32, #tpu.memory_space<vmem>>, vector<16xi32>,
      %get3A_99 = arith.constant 0 : i32
      %get3A_100 = arith.index_cast %get3A_99 : i32 to index
      %get3A_101 = arith.index_cast %add3A_70 : i32 to index
      %get3A_102 = tpu.vector_load %arg9[%get3A_100, %get3A_101] {strides = array<i32>} : memref<2x10112xi32, #tpu.memory_space<vmem>>, vector<16xi32>,
      %get3A_103 = arith.constant 0 : i32
      %get3A_104 = arith.index_cast %get3A_103 : i32 to index
      %get3A_105 = arith.index_cast %add3A_75 : i32 to index
      %get3A_106 = tpu.vector_load %arg9[%get3A_104, %get3A_105] {strides = array<i32>} : memref<2x10112xi32, #tpu.memory_space<vmem>>, vector<16xi32>,
      %get3A_107 = arith.constant 1 : i32
      %get3A_108 = arith.index_cast %get3A_107 : i32 to index
      %get3A_109 = arith.index_cast %add3A_40 : i32 to index
      %get3A_110 = tpu.vector_load %arg9[%get3A_108, %get3A_109] {strides = array<i32>} : memref<2x10112xi32, #tpu.memory_space<vmem>>, vector<16xi32>,
      %get3A_111 = arith.constant 1 : i32
      %get3A_112 = arith.index_cast %get3A_111 : i32 to index
      %get3A_113 = arith.index_cast %add3A_45 : i32 to index
      %get3A_114 = tpu.vector_load %arg9[%get3A_112, %get3A_113] {strides = array<i32>} : memref<2x10112xi32, #tpu.memory_space<vmem>>, vector<16xi32>,
      %get3A_115 = arith.constant 1 : i32
      %get3A_116 = arith.index_cast %get3A_115 : i32 to index
      %get3A_117 = arith.index_cast %add3A_50 : i32 to index
      %get3A_118 = tpu.vector_load %arg9[%get3A_116, %get3A_117] {strides = array<i32>} : memref<2x10112xi32, #tpu.memory_space<vmem>>, vector<16xi32>,
      %get3A_119 = arith.constant 1 : i32
      %get3A_120 = arith.index_cast %get3A_119 : i32 to index
      %get3A_121 = arith.index_cast %add3A_55 : i32 to index
      %get3A_122 = tpu.vector_load %arg9[%get3A_120, %get3A_121] {strides = array<i32>} : memref<2x10112xi32, #tpu.memory_space<vmem>>, vector<16xi32>,
      %get3A_123 = arith.constant 1 : i32
      %get3A_124 = arith.index_cast %get3A_123 : i32 to index
      %get3A_125 = arith.index_cast %add3A_60 : i32 to index
      %get3A_126 = tpu.vector_load %arg9[%get3A_124, %get3A_125] {strides = array<i32>} : memref<2x10112xi32, #tpu.memory_space<vmem>>, vector<16xi32>,
      %get3A_127 = arith.constant 1 : i32
      %get3A_128 = arith.index_cast %get3A_127 : i32 to index
      %get3A_129 = arith.index_cast %add3A_65 : i32 to index
      %get3A_130 = tpu.vector_load %arg9[%get3A_128, %get3A_129] {strides = array<i32>} : memref<2x10112xi32, #tpu.memory_space<vmem>>, vector<16xi32>,
      %get3A_131 = arith.constant 1 : i32
      %get3A_132 = arith.index_cast %get3A_131 : i32 to index
      %get3A_133 = arith.index_cast %add3A_70 : i32 to index
      %get3A_134 = tpu.vector_load %arg9[%get3A_132, %get3A_133] {strides = array<i32>} : memref<2x10112xi32, #tpu.memory_space<vmem>>, vector<16xi32>,
      %get3A_135 = arith.constant 1 : i32
      %get3A_136 = arith.index_cast %get3A_135 : i32 to index
      %get3A_137 = arith.index_cast %add3A_75 : i32 to index
      %get3A_138 = tpu.vector_load %arg9[%get3A_136, %get3A_137] {strides = array<i32>} : memref<2x10112xi32, #tpu.memory_space<vmem>>, vector<16xi32>,
      %gather3A = tpu.vector_load_idx %arg10[%get3A_78] : memref<10000xf32, #tpu.memory_space<vmem>>[vector<16xi32>], vector<16xf32>,
      %gather3A_139 = tpu.vector_load_idx %arg10[%get3A_82] : memref<10000xf32, #tpu.memory_space<vmem>>[vector<16xi32>], vector<16xf32>,
      %gather3A_140 = tpu.vector_load_idx %arg10[%get3A_86] : memref<10000xf32, #tpu.memory_space<vmem>>[vector<16xi32>], vector<16xf32>,
      %gather3A_141 = tpu.vector_load_idx %arg10[%get3A_90] : memref<10000xf32, #tpu.memory_space<vmem>>[vector<16xi32>], vector<16xf32>,
      %gather3A_142 = tpu.vector_load_idx %arg10[%get3A_94] : memref<10000xf32, #tpu.memory_space<vmem>>[vector<16xi32>], vector<16xf32>,
      %gather3A_143 = tpu.vector_load_idx %arg10[%get3A_98] : memref<10000xf32, #tpu.memory_space<vmem>>[vector<16xi32>], vector<16xf32>,
      %gather3A_144 = tpu.vector_load_idx %arg10[%get3A_102] : memref<10000xf32, #tpu.memory_space<vmem>>[vector<16xi32>], vector<16xf32>,
      %gather3A_145 = tpu.vector_load_idx %arg10[%get3A_106] : memref<10000xf32, #tpu.memory_space<vmem>>[vector<16xi32>], vector<16xf32>,
      %gather3A_146 = tpu.vector_load_idx %arg10[%get3A_110] : memref<10000xf32, #tpu.memory_space<vmem>>[vector<16xi32>], vector<16xf32>,
      %gather3A_147 = tpu.vector_load_idx %arg10[%get3A_114] : memref<10000xf32, #tpu.memory_space<vmem>>[vector<16xi32>], vector<16xf32>,
      %gather3A_148 = tpu.vector_load_idx %arg10[%get3A_118] : memref<10000xf32, #tpu.memory_space<vmem>>[vector<16xi32>], vector<16xf32>,
      %gather3A_149 = tpu.vector_load_idx %arg10[%get3A_122] : memref<10000xf32, #tpu.memory_space<vmem>>[vector<16xi32>], vector<16xf32>,
      %gather3A_150 = tpu.vector_load_idx %arg10[%get3A_126] : memref<10000xf32, #tpu.memory_space<vmem>>[vector<16xi32>], vector<16xf32>,
      %gather3A_151 = tpu.vector_load_idx %arg10[%get3A_130] : memref<10000xf32, #tpu.memory_space<vmem>>[vector<16xi32>], vector<16xf32>,
      %gather3A_152 = tpu.vector_load_idx %arg10[%get3A_134] : memref<10000xf32, #tpu.memory_space<vmem>>[vector<16xi32>], vector<16xf32>,
      %gather3A_153 = tpu.vector_load_idx %arg10[%get3A_138] : memref<10000xf32, #tpu.memory_space<vmem>>[vector<16xi32>], vector<16xf32>,
      %gather3A_154 = tpu.vector_load_idx %arg11[%get3A_78] : memref<10000xf32, #tpu.memory_space<vmem>>[vector<16xi32>], vector<16xf32>,
      %gather3A_155 = tpu.vector_load_idx %arg11[%get3A_82] : memref<10000xf32, #tpu.memory_space<vmem>>[vector<16xi32>], vector<16xf32>,
      %gather3A_156 = tpu.vector_load_idx %arg11[%get3A_86] : memref<10000xf32, #tpu.memory_space<vmem>>[vector<16xi32>], vector<16xf32>,
      %gather3A_157 = tpu.vector_load_idx %arg11[%get3A_90] : memref<10000xf32, #tpu.memory_space<vmem>>[vector<16xi32>], vector<16xf32>,
      %gather3A_158 = tpu.vector_load_idx %arg11[%get3A_94] : memref<10000xf32, #tpu.memory_space<vmem>>[vector<16xi32>], vector<16xf32>,
      %gather3A_159 = tpu.vector_load_idx %arg11[%get3A_98] : memref<10000xf32, #tpu.memory_space<vmem>>[vector<16xi32>], vector<16xf32>,
      %gather3A_160 = tpu.vector_load_idx %arg11[%get3A_102] : memref<10000xf32, #tpu.memory_space<vmem>>[vector<16xi32>], vector<16xf32>,
      %gather3A_161 = tpu.vector_load_idx %arg11[%get3A_106] : memref<10000xf32, #tpu.memory_space<vmem>>[vector<16xi32>], vector<16xf32>,
      %gather3A_162 = tpu.vector_load_idx %arg12[%get3A_78] : memref<10000xf32, #tpu.memory_space<vmem>>[vector<16xi32>], vector<16xf32>,
      %gather3A_163 = tpu.vector_load_idx %arg12[%get3A_82] : memref<10000xf32, #tpu.memory_space<vmem>>[vector<16xi32>], vector<16xf32>,
      %gather3A_164 = tpu.vector_load_idx %arg12[%get3A_86] : memref<10000xf32, #tpu.memory_space<vmem>>[vector<16xi32>], vector<16xf32>,
      %gather3A_165 = tpu.vector_load_idx %arg12[%get3A_90] : memref<10000xf32, #tpu.memory_space<vmem>>[vector<16xi32>], vector<16xf32>,
      %gather3A_166 = tpu.vector_load_idx %arg12[%get3A_94] : memref<10000xf32, #tpu.memory_space<vmem>>[vector<16xi32>], vector<16xf32>,
      %gather3A_167 = tpu.vector_load_idx %arg12[%get3A_98] : memref<10000xf32, #tpu.memory_space<vmem>>[vector<16xi32>], vector<16xf32>,
      %gather3A_168 = tpu.vector_load_idx %arg12[%get3A_102] : memref<10000xf32, #tpu.memory_space<vmem>>[vector<16xi32>], vector<16xf32>,
      %gather3A_169 = tpu.vector_load_idx %arg12[%get3A_106] : memref<10000xf32, #tpu.memory_space<vmem>>[vector<16xi32>], vector<16xf32>,
      %mul3A_170 = arith.mulf %gather3A, %gather3A_146 : vector<16xf32>
      %swap3A = arith.index_cast %add3A_40 : i32 to index
      %swap3A_171 = tpu.vector_load %arg13[%swap3A] {strides = array<i32>} : memref<10112xf32, #tpu.memory_space<vmem>>, vector<16xf32>,
      tpu.vector_store %arg13[%swap3A], %mul3A_170 {strides = array<i32>} : memref<10112xf32, #tpu.memory_space<vmem>>, vector<16xf32>,
      %mul3A_172 = arith.mulf %gather3A_139, %gather3A_147 : vector<16xf32>
      %swap3A_173 = arith.index_cast %add3A_45 : i32 to index
      %swap3A_174 = tpu.vector_load %arg13[%swap3A_173] {strides = array<i32>} : memref<10112xf32, #tpu.memory_space<vmem>>, vector<16xf32>,
      tpu.vector_store %arg13[%swap3A_173], %mul3A_172 {strides = array<i32>} : memref<10112xf32, #tpu.memory_space<vmem>>, vector<16xf32>,
      %mul3A_175 = arith.mulf %gather3A_140, %gather3A_148 : vector<16xf32>
      %swap3A_176 = arith.index_cast %add3A_50 : i32 to index
      %swap3A_177 = tpu.vector_load %arg13[%swap3A_176] {strides = array<i32>} : memref<10112xf32, #tpu.memory_space<vmem>>, vector<16xf32>,
      tpu.vector_store %arg13[%swap3A_176], %mul3A_175 {strides = array<i32>} : memref<10112xf32, #tpu.memory_space<vmem>>, vector<16xf32>,
      %mul3A_178 = arith.mulf %gather3A_141, %gather3A_149 : vector<16xf32>
      %swap3A_179 = arith.index_cast %add3A_55 : i32 to index
      %swap3A_180 = tpu.vector_load %arg13[%swap3A_179] {strides = array<i32>} : memref<10112xf32, #tpu.memory_space<vmem>>, vector<16xf32>,
      tpu.vector_store %arg13[%swap3A_179], %mul3A_178 {strides = array<i32>} : memref<10112xf32, #tpu.memory_space<vmem>>, vector<16xf32>,
      %mul3A_181 = arith.mulf %gather3A_142, %gather3A_150 : vector<16xf32>
      %swap3A_182 = arith.index_cast %add3A_60 : i32 to index
      %swap3A_183 = tpu.vector_load %arg13[%swap3A_182] {strides = array<i32>} : memref<10112xf32, #tpu.memory_space<vmem>>, vector<16xf32>,
      tpu.vector_store %arg13[%swap3A_182], %mul3A_181 {strides = array<i32>} : memref<10112xf32, #tpu.memory_space<vmem>>, vector<16xf32>,
      %mul3A_184 = arith.mulf %gather3A_143, %gather3A_151 : vector<16xf32>
      %swap3A_185 = arith.index_cast %add3A_65 : i32 to index
      %swap3A_186 = tpu.vector_load %arg13[%swap3A_185] {strides = array<i32>} : memref<10112xf32, #tpu.memory_space<vmem>>, vector<16xf32>,
      tpu.vector_store %arg13[%swap3A_185], %mul3A_184 {strides = array<i32>} : memref<10112xf32, #tpu.memory_space<vmem>>, vector<16xf32>,
      %mul3A_187 = arith.mulf %gather3A_144, %gather3A_152 : vector<16xf32>
      %swap3A_188 = arith.index_cast %add3A_70 : i32 to index
      %swap3A_189 = tpu.vector_load %arg13[%swap3A_188] {strides = array<i32>} : memref<10112xf32, #tpu.memory_space<vmem>>, vector<16xf32>,
      tpu.vector_store %arg13[%swap3A_188], %mul3A_187 {strides = array<i32>} : memref<10112xf32, #tpu.memory_space<vmem>>, vector<16xf32>,
      %mul3A_190 = arith.mulf %gather3A_145, %gather3A_153 : vector<16xf32>
      %swap3A_191 = arith.index_cast %add3A_75 : i32 to index
      %swap3A_192 = tpu.vector_load %arg13[%swap3A_191] {strides = array<i32>} : memref<10112xf32, #tpu.memory_space<vmem>>, vector<16xf32>,
      tpu.vector_store %arg13[%swap3A_191], %mul3A_190 {strides = array<i32>} : memref<10112xf32, #tpu.memory_space<vmem>>, vector<16xf32>,
      tpu.vector_store_idx %arg16[%get3A_110], %gather3A_154 {add = true} : memref<10000xf32, #tpu.memory_space<vmem>>[vector<16xi32>], vector<16xf32>,
      tpu.vector_store_idx %arg17[%get3A_110], %gather3A_162 {add = true} : memref<10000xf32, #tpu.memory_space<vmem>>[vector<16xi32>], vector<16xf32>,
      tpu.vector_store_idx %arg16[%get3A_114], %gather3A_155 {add = true} : memref<10000xf32, #tpu.memory_space<vmem>>[vector<16xi32>], vector<16xf32>,
      tpu.vector_store_idx %arg17[%get3A_114], %gather3A_163 {add = true} : memref<10000xf32, #tpu.memory_space<vmem>>[vector<16xi32>], vector<16xf32>,
      tpu.vector_store_idx %arg16[%get3A_118], %gather3A_156 {add = true} : memref<10000xf32, #tpu.memory_space<vmem>>[vector<16xi32>], vector<16xf32>,
      tpu.vector_store_idx %arg17[%get3A_118], %gather3A_164 {add = true} : memref<10000xf32, #tpu.memory_space<vmem>>[vector<16xi32>], vector<16xf32>,
      tpu.vector_store_idx %arg16[%get3A_122], %gather3A_157 {add = true} : memref<10000xf32, #tpu.memory_space<vmem>>[vector<16xi32>], vector<16xf32>,
      tpu.vector_store_idx %arg17[%get3A_122], %gather3A_165 {add = true} : memref<10000xf32, #tpu.memory_space<vmem>>[vector<16xi32>], vector<16xf32>,
      tpu.vector_store_idx %arg16[%get3A_126], %gather3A_158 {add = true} : memref<10000xf32, #tpu.memory_space<vmem>>[vector<16xi32>], vector<16xf32>,
      tpu.vector_store_idx %arg17[%get3A_126], %gather3A_166 {add = true} : memref<10000xf32, #tpu.memory_space<vmem>>[vector<16xi32>], vector<16xf32>,
      tpu.vector_store_idx %arg16[%get3A_130], %gather3A_159 {add = true} : memref<10000xf32, #tpu.memory_space<vmem>>[vector<16xi32>], vector<16xf32>,
      tpu.vector_store_idx %arg17[%get3A_130], %gather3A_167 {add = true} : memref<10000xf32, #tpu.memory_space<vmem>>[vector<16xi32>], vector<16xf32>,
      tpu.vector_store_idx %arg16[%get3A_134], %gather3A_160 {add = true} : memref<10000xf32, #tpu.memory_space<vmem>>[vector<16xi32>], vector<16xf32>,
      tpu.vector_store_idx %arg17[%get3A_134], %gather3A_168 {add = true} : memref<10000xf32, #tpu.memory_space<vmem>>[vector<16xi32>], vector<16xf32>,
      tpu.vector_store_idx %arg16[%get3A_138], %gather3A_161 {add = true} : memref<10000xf32, #tpu.memory_space<vmem>>[vector<16xi32>], vector<16xf32>,
      tpu.vector_store_idx %arg17[%get3A_138], %gather3A_169 {add = true} : memref<10000xf32, #tpu.memory_space<vmem>>[vector<16xi32>], vector<16xf32>,
    }
    %while3A_32 = arith.constant 1 : i32
    scf.for %while3A_35 = %while3A_30 to %while3A_26 step %while3A_32  : i32 {
      %mul3A_36 = arith.constant 128 : i32
      %mul3A_37 = arith.muli %while3A_35, %mul3A_36 : i32
      %add3A_38 = arith.addi %sub3A, %mul3A_37 : i32
      %add3A_39 = arith.constant 0 : i32
      %add3A_40 = arith.addi %add3A_38, %add3A_39 : i32
      %mul3A_41 = arith.constant 128 : i32
      %mul3A_42 = arith.muli %while3A_35, %mul3A_41 : i32
      %add3A_43 = arith.addi %sub3A, %mul3A_42 : i32
      %add3A_44 = arith.constant 16 : i32
      %add3A_45 = arith.addi %add3A_43, %add3A_44 : i32
      %mul3A_46 = arith.constant 128 : i32
      %mul3A_47 = arith.muli %while3A_35, %mul3A_46 : i32
      %add3A_48 = arith.addi %sub3A, %mul3A_47 : i32
      %add3A_49 = arith.constant 32 : i32
      %add3A_50 = arith.addi %add3A_48, %add3A_49 : i32
      %mul3A_51 = arith.constant 128 : i32
      %mul3A_52 = arith.muli %while3A_35, %mul3A_51 : i32
      %add3A_53 = arith.addi %sub3A, %mul3A_52 : i32
      %add3A_54 = arith.constant 48 : i32
      %add3A_55 = arith.addi %add3A_53, %add3A_54 : i32
      %mul3A_56 = arith.constant 128 : i32
      %mul3A_57 = arith.muli %while3A_35, %mul3A_56 : i32
      %add3A_58 = arith.addi %sub3A, %mul3A_57 : i32
      %add3A_59 = arith.constant 64 : i32
      %add3A_60 = arith.addi %add3A_58, %add3A_59 : i32
      %mul3A_61 = arith.constant 128 : i32
      %mul3A_62 = arith.muli %while3A_35, %mul3A_61 : i32
      %add3A_63 = arith.addi %sub3A, %mul3A_62 : i32
      %add3A_64 = arith.constant 80 : i32
      %add3A_65 = arith.addi %add3A_63, %add3A_64 : i32
      %mul3A_66 = arith.constant 128 : i32
      %mul3A_67 = arith.muli %while3A_35, %mul3A_66 : i32
      %add3A_68 = arith.addi %sub3A, %mul3A_67 : i32
      %add3A_69 = arith.constant 96 : i32
      %add3A_70 = arith.addi %add3A_68, %add3A_69 : i32
      %mul3A_71 = arith.constant 128 : i32
      %mul3A_72 = arith.muli %while3A_35, %mul3A_71 : i32
      %add3A_73 = arith.addi %sub3A, %mul3A_72 : i32
      %add3A_74 = arith.constant 112 : i32
      %add3A_75 = arith.addi %add3A_73, %add3A_74 : i32
      %get3A = arith.constant 0 : i32
      %get3A_76 = arith.index_cast %get3A : i32 to index
      %get3A_77 = arith.index_cast %add3A_40 : i32 to index
      %get3A_78 = tpu.vector_load %arg9[%get3A_76, %get3A_77] {strides = array<i32>} : memref<2x10112xi32, #tpu.memory_space<vmem>>, vector<16xi32>,
      %get3A_79 = arith.constant 0 : i32
      %get3A_80 = arith.index_cast %get3A_79 : i32 to index
      %get3A_81 = arith.index_cast %add3A_45 : i32 to index
      %get3A_82 = tpu.vector_load %arg9[%get3A_80, %get3A_81] {strides = array<i32>} : memref<2x10112xi32, #tpu.memory_space<vmem>>, vector<16xi32>,
      %get3A_83 = arith.constant 0 : i32
      %get3A_84 = arith.index_cast %get3A_83 : i32 to index
      %get3A_85 = arith.index_cast %add3A_50 : i32 to index
      %get3A_86 = tpu.vector_load %arg9[%get3A_84, %get3A_85] {strides = array<i32>} : memref<2x10112xi32, #tpu.memory_space<vmem>>, vector<16xi32>,
      %get3A_87 = arith.constant 0 : i32
      %get3A_88 = arith.index_cast %get3A_87 : i32 to index
      %get3A_89 = arith.index_cast %add3A_55 : i32 to index
      %get3A_90 = tpu.vector_load %arg9[%get3A_88, %get3A_89] {strides = array<i32>} : memref<2x10112xi32, #tpu.memory_space<vmem>>, vector<16xi32>,
      %get3A_91 = arith.constant 0 : i32
      %get3A_92 = arith.index_cast %get3A_91 : i32 to index
      %get3A_93 = arith.index_cast %add3A_60 : i32 to index
      %get3A_94 = tpu.vector_load %arg9[%get3A_92, %get3A_93] {strides = array<i32>} : memref<2x10112xi32, #tpu.memory_space<vmem>>, vector<16xi32>,
      %get3A_95 = arith.constant 0 : i32
      %get3A_96 = arith.index_cast %get3A_95 : i32 to index
      %get3A_97 = arith.index_cast %add3A_65 : i32 to index
      %get3A_98 = tpu.vector_load %arg9[%get3A_96, %get3A_97] {strides = array<i32>} : memref<2x10112xi32, #tpu.memory_space<vmem>>, vector<16xi32>,
      %get3A_99 = arith.constant 0 : i32
      %get3A_100 = arith.index_cast %get3A_99 : i32 to index
      %get3A_101 = arith.index_cast %add3A_70 : i32 to index
      %get3A_102 = tpu.vector_load %arg9[%get3A_100, %get3A_101] {strides = array<i32>} : memref<2x10112xi32, #tpu.memory_space<vmem>>, vector<16xi32>,
      %get3A_103 = arith.constant 0 : i32
      %get3A_104 = arith.index_cast %get3A_103 : i32 to index
      %get3A_105 = arith.index_cast %add3A_75 : i32 to index
      %get3A_106 = tpu.vector_load %arg9[%get3A_104, %get3A_105] {strides = array<i32>} : memref<2x10112xi32, #tpu.memory_space<vmem>>, vector<16xi32>,
      %get3A_107 = arith.constant 1 : i32
      %get3A_108 = arith.index_cast %get3A_107 : i32 to index
      %get3A_109 = arith.index_cast %add3A_40 : i32 to index
      %get3A_110 = tpu.vector_load %arg9[%get3A_108, %get3A_109] {strides = array<i32>} : memref<2x10112xi32, #tpu.memory_space<vmem>>, vector<16xi32>,
      %get3A_111 = arith.constant 1 : i32
      %get3A_112 = arith.index_cast %get3A_111 : i32 to index
      %get3A_113 = arith.index_cast %add3A_45 : i32 to index
      %get3A_114 = tpu.vector_load %arg9[%get3A_112, %get3A_113] {strides = array<i32>} : memref<2x10112xi32, #tpu.memory_space<vmem>>, vector<16xi32>,
      %get3A_115 = arith.constant 1 : i32
      %get3A_116 = arith.index_cast %get3A_115 : i32 to index
      %get3A_117 = arith.index_cast %add3A_50 : i32 to index
      %get3A_118 = tpu.vector_load %arg9[%get3A_116, %get3A_117] {strides = array<i32>} : memref<2x10112xi32, #tpu.memory_space<vmem>>, vector<16xi32>,
      %get3A_119 = arith.constant 1 : i32
      %get3A_120 = arith.index_cast %get3A_119 : i32 to index
      %get3A_121 = arith.index_cast %add3A_55 : i32 to index
      %get3A_122 = tpu.vector_load %arg9[%get3A_120, %get3A_121] {strides = array<i32>} : memref<2x10112xi32, #tpu.memory_space<vmem>>, vector<16xi32>,
      %get3A_123 = arith.constant 1 : i32
      %get3A_124 = arith.index_cast %get3A_123 : i32 to index
      %get3A_125 = arith.index_cast %add3A_60 : i32 to index
      %get3A_126 = tpu.vector_load %arg9[%get3A_124, %get3A_125] {strides = array<i32>} : memref<2x10112xi32, #tpu.memory_space<vmem>>, vector<16xi32>,
      %get3A_127 = arith.constant 1 : i32
      %get3A_128 = arith.index_cast %get3A_127 : i32 to index
      %get3A_129 = arith.index_cast %add3A_65 : i32 to index
      %get3A_130 = tpu.vector_load %arg9[%get3A_128, %get3A_129] {strides = array<i32>} : memref<2x10112xi32, #tpu.memory_space<vmem>>, vector<16xi32>,
      %get3A_131 = arith.constant 1 : i32
      %get3A_132 = arith.index_cast %get3A_131 : i32 to index
      %get3A_133 = arith.index_cast %add3A_70 : i32 to index
      %get3A_134 = tpu.vector_load %arg9[%get3A_132, %get3A_133] {strides = array<i32>} : memref<2x10112xi32, #tpu.memory_space<vmem>>, vector<16xi32>,
      %get3A_135 = arith.constant 1 : i32
      %get3A_136 = arith.index_cast %get3A_135 : i32 to index
      %get3A_137 = arith.index_cast %add3A_75 : i32 to index
      %get3A_138 = tpu.vector_load %arg9[%get3A_136, %get3A_137] {strides = array<i32>} : memref<2x10112xi32, #tpu.memory_space<vmem>>, vector<16xi32>,
      %gather3A = tpu.vector_load_idx %arg10[%get3A_78] : memref<10000xf32, #tpu.memory_space<vmem>>[vector<16xi32>], vector<16xf32>,
      %gather3A_139 = tpu.vector_load_idx %arg10[%get3A_82] : memref<10000xf32, #tpu.memory_space<vmem>>[vector<16xi32>], vector<16xf32>,
      %gather3A_140 = tpu.vector_load_idx %arg10[%get3A_86] : memref<10000xf32, #tpu.memory_space<vmem>>[vector<16xi32>], vector<16xf32>,
      %gather3A_141 = tpu.vector_load_idx %arg10[%get3A_90] : memref<10000xf32, #tpu.memory_space<vmem>>[vector<16xi32>], vector<16xf32>,
      %gather3A_142 = tpu.vector_load_idx %arg10[%get3A_94] : memref<10000xf32, #tpu.memory_space<vmem>>[vector<16xi32>], vector<16xf32>,
      %gather3A_143 = tpu.vector_load_idx %arg10[%get3A_98] : memref<10000xf32, #tpu.memory_space<vmem>>[vector<16xi32>], vector<16xf32>,
      %gather3A_144 = tpu.vector_load_idx %arg10[%get3A_102] : memref<10000xf32, #tpu.memory_space<vmem>>[vector<16xi32>], vector<16xf32>,
      %gather3A_145 = tpu.vector_load_idx %arg10[%get3A_106] : memref<10000xf32, #tpu.memory_space<vmem>>[vector<16xi32>], vector<16xf32>,
      %gather3A_146 = tpu.vector_load_idx %arg10[%get3A_110] : memref<10000xf32, #tpu.memory_space<vmem>>[vector<16xi32>], vector<16xf32>,
      %gather3A_147 = tpu.vector_load_idx %arg10[%get3A_114] : memref<10000xf32, #tpu.memory_space<vmem>>[vector<16xi32>], vector<16xf32>,
      %gather3A_148 = tpu.vector_load_idx %arg10[%get3A_118] : memref<10000xf32, #tpu.memory_space<vmem>>[vector<16xi32>], vector<16xf32>,
      %gather3A_149 = tpu.vector_load_idx %arg10[%get3A_122] : memref<10000xf32, #tpu.memory_space<vmem>>[vector<16xi32>], vector<16xf32>,
      %gather3A_150 = tpu.vector_load_idx %arg10[%get3A_126] : memref<10000xf32, #tpu.memory_space<vmem>>[vector<16xi32>], vector<16xf32>,
      %gather3A_151 = tpu.vector_load_idx %arg10[%get3A_130] : memref<10000xf32, #tpu.memory_space<vmem>>[vector<16xi32>], vector<16xf32>,
      %gather3A_152 = tpu.vector_load_idx %arg10[%get3A_134] : memref<10000xf32, #tpu.memory_space<vmem>>[vector<16xi32>], vector<16xf32>,
      %gather3A_153 = tpu.vector_load_idx %arg10[%get3A_138] : memref<10000xf32, #tpu.memory_space<vmem>>[vector<16xi32>], vector<16xf32>,
      %gather3A_154 = tpu.vector_load_idx %arg11[%get3A_78] : memref<10000xf32, #tpu.memory_space<vmem>>[vector<16xi32>], vector<16xf32>,
      %gather3A_155 = tpu.vector_load_idx %arg11[%get3A_82] : memref<10000xf32, #tpu.memory_space<vmem>>[vector<16xi32>], vector<16xf32>,
      %gather3A_156 = tpu.vector_load_idx %arg11[%get3A_86] : memref<10000xf32, #tpu.memory_space<vmem>>[vector<16xi32>], vector<16xf32>,
      %gather3A_157 = tpu.vector_load_idx %arg11[%get3A_90] : memref<10000xf32, #tpu.memory_space<vmem>>[vector<16xi32>], vector<16xf32>,
      %gather3A_158 = tpu.vector_load_idx %arg11[%get3A_94] : memref<10000xf32, #tpu.memory_space<vmem>>[vector<16xi32>], vector<16xf32>,
      %gather3A_159 = tpu.vector_load_idx %arg11[%get3A_98] : memref<10000xf32, #tpu.memory_space<vmem>>[vector<16xi32>], vector<16xf32>,
      %gather3A_160 = tpu.vector_load_idx %arg11[%get3A_102] : memref<10000xf32, #tpu.memory_space<vmem>>[vector<16xi32>], vector<16xf32>,
      %gather3A_161 = tpu.vector_load_idx %arg11[%get3A_106] : memref<10000xf32, #tpu.memory_space<vmem>>[vector<16xi32>], vector<16xf32>,
      %gather3A_162 = tpu.vector_load_idx %arg12[%get3A_78] : memref<10000xf32, #tpu.memory_space<vmem>>[vector<16xi32>], vector<16xf32>,
      %gather3A_163 = tpu.vector_load_idx %arg12[%get3A_82] : memref<10000xf32, #tpu.memory_space<vmem>>[vector<16xi32>], vector<16xf32>,
      %gather3A_164 = tpu.vector_load_idx %arg12[%get3A_86] : memref<10000xf32, #tpu.memory_space<vmem>>[vector<16xi32>], vector<16xf32>,
      %gather3A_165 = tpu.vector_load_idx %arg12[%get3A_90] : memref<10000xf32, #tpu.memory_space<vmem>>[vector<16xi32>], vector<16xf32>,
      %gather3A_166 = tpu.vector_load_idx %arg12[%get3A_94] : memref<10000xf32, #tpu.memory_space<vmem>>[vector<16xi32>], vector<16xf32>,
      %gather3A_167 = tpu.vector_load_idx %arg12[%get3A_98] : memref<10000xf32, #tpu.memory_space<vmem>>[vector<16xi32>], vector<16xf32>,
      %gather3A_168 = tpu.vector_load_idx %arg12[%get3A_102] : memref<10000xf32, #tpu.memory_space<vmem>>[vector<16xi32>], vector<16xf32>,
      %gather3A_169 = tpu.vector_load_idx %arg12[%get3A_106] : memref<10000xf32, #tpu.memory_space<vmem>>[vector<16xi32>], vector<16xf32>,
      %mul3A_170 = arith.mulf %gather3A, %gather3A_146 : vector<16xf32>
      %swap3A = arith.index_cast %add3A_40 : i32 to index
      %swap3A_171 = tpu.vector_load %arg13[%swap3A] {strides = array<i32>} : memref<10112xf32, #tpu.memory_space<vmem>>, vector<16xf32>,
      tpu.vector_store %arg13[%swap3A], %mul3A_170 {strides = array<i32>} : memref<10112xf32, #tpu.memory_space<vmem>>, vector<16xf32>,
      %mul3A_172 = arith.mulf %gather3A_139, %gather3A_147 : vector<16xf32>
      %swap3A_173 = arith.index_cast %add3A_45 : i32 to index
      %swap3A_174 = tpu.vector_load %arg13[%swap3A_173] {strides = array<i32>} : memref<10112xf32, #tpu.memory_space<vmem>>, vector<16xf32>,
      tpu.vector_store %arg13[%swap3A_173], %mul3A_172 {strides = array<i32>} : memref<10112xf32, #tpu.memory_space<vmem>>, vector<16xf32>,
      %mul3A_175 = arith.mulf %gather3A_140, %gather3A_148 : vector<16xf32>
      %swap3A_176 = arith.index_cast %add3A_50 : i32 to index
      %swap3A_177 = tpu.vector_load %arg13[%swap3A_176] {strides = array<i32>} : memref<10112xf32, #tpu.memory_space<vmem>>, vector<16xf32>,
      tpu.vector_store %arg13[%swap3A_176], %mul3A_175 {strides = array<i32>} : memref<10112xf32, #tpu.memory_space<vmem>>, vector<16xf32>,
      %mul3A_178 = arith.mulf %gather3A_141, %gather3A_149 : vector<16xf32>
      %swap3A_179 = arith.index_cast %add3A_55 : i32 to index
      %swap3A_180 = tpu.vector_load %arg13[%swap3A_179] {strides = array<i32>} : memref<10112xf32, #tpu.memory_space<vmem>>, vector<16xf32>,
      tpu.vector_store %arg13[%swap3A_179], %mul3A_178 {strides = array<i32>} : memref<10112xf32, #tpu.memory_space<vmem>>, vector<16xf32>,
      %mul3A_181 = arith.mulf %gather3A_142, %gather3A_150 : vector<16xf32>
      %swap3A_182 = arith.index_cast %add3A_60 : i32 to index
      %swap3A_183 = tpu.vector_load %arg13[%swap3A_182] {strides = array<i32>} : memref<10112xf32, #tpu.memory_space<vmem>>, vector<16xf32>,
      tpu.vector_store %arg13[%swap3A_182], %mul3A_181 {strides = array<i32>} : memref<10112xf32, #tpu.memory_space<vmem>>, vector<16xf32>,
      %mul3A_184 = arith.mulf %gather3A_143, %gather3A_151 : vector<16xf32>
      %swap3A_185 = arith.index_cast %add3A_65 : i32 to index
      %swap3A_186 = tpu.vector_load %arg13[%swap3A_185] {strides = array<i32>} : memref<10112xf32, #tpu.memory_space<vmem>>, vector<16xf32>,
      tpu.vector_store %arg13[%swap3A_185], %mul3A_184 {strides = array<i32>} : memref<10112xf32, #tpu.memory_space<vmem>>, vector<16xf32>,
      %mul3A_187 = arith.mulf %gather3A_144, %gather3A_152 : vector<16xf32>
      %swap3A_188 = arith.index_cast %add3A_70 : i32 to index
      %swap3A_189 = tpu.vector_load %arg13[%swap3A_188] {strides = array<i32>} : memref<10112xf32, #tpu.memory_space<vmem>>, vector<16xf32>,
      tpu.vector_store %arg13[%swap3A_188], %mul3A_187 {strides = array<i32>} : memref<10112xf32, #tpu.memory_space<vmem>>, vector<16xf32>,
      %mul3A_190 = arith.mulf %gather3A_145, %gather3A_153 : vector<16xf32>
      %swap3A_191 = arith.index_cast %add3A_75 : i32 to index
      %swap3A_192 = tpu.vector_load %arg13[%swap3A_191] {strides = array<i32>} : memref<10112xf32, #tpu.memory_space<vmem>>, vector<16xf32>,
      tpu.vector_store %arg13[%swap3A_191], %mul3A_190 {strides = array<i32>} : memref<10112xf32, #tpu.memory_space<vmem>>, vector<16xf32>,
      tpu.vector_store_idx %arg16[%get3A_110], %gather3A_154 {add = true} : memref<10000xf32, #tpu.memory_space<vmem>>[vector<16xi32>], vector<16xf32>,
      tpu.vector_store_idx %arg17[%get3A_110], %gather3A_162 {add = true} : memref<10000xf32, #tpu.memory_space<vmem>>[vector<16xi32>], vector<16xf32>,
      tpu.vector_store_idx %arg16[%get3A_114], %gather3A_155 {add = true} : memref<10000xf32, #tpu.memory_space<vmem>>[vector<16xi32>], vector<16xf32>,
      tpu.vector_store_idx %arg17[%get3A_114], %gather3A_163 {add = true} : memref<10000xf32, #tpu.memory_space<vmem>>[vector<16xi32>], vector<16xf32>,
      tpu.vector_store_idx %arg16[%get3A_118], %gather3A_156 {add = true} : memref<10000xf32, #tpu.memory_space<vmem>>[vector<16xi32>], vector<16xf32>,
      tpu.vector_store_idx %arg17[%get3A_118], %gather3A_164 {add = true} : memref<10000xf32, #tpu.memory_space<vmem>>[vector<16xi32>], vector<16xf32>,
      tpu.vector_store_idx %arg16[%get3A_122], %gather3A_157 {add = true} : memref<10000xf32, #tpu.memory_space<vmem>>[vector<16xi32>], vector<16xf32>,
      tpu.vector_store_idx %arg17[%get3A_122], %gather3A_165 {add = true} : memref<10000xf32, #tpu.memory_space<vmem>>[vector<16xi32>], vector<16xf32>,
      tpu.vector_store_idx %arg16[%get3A_126], %gather3A_158 {add = true} : memref<10000xf32, #tpu.memory_space<vmem>>[vector<16xi32>], vector<16xf32>,
      tpu.vector_store_idx %arg17[%get3A_126], %gather3A_166 {add = true} : memref<10000xf32, #tpu.memory_space<vmem>>[vector<16xi32>], vector<16xf32>,
      tpu.vector_store_idx %arg16[%get3A_130], %gather3A_159 {add = true} : memref<10000xf32, #tpu.memory_space<vmem>>[vector<16xi32>], vector<16xf32>,
      tpu.vector_store_idx %arg17[%get3A_130], %gather3A_167 {add = true} : memref<10000xf32, #tpu.memory_space<vmem>>[vector<16xi32>], vector<16xf32>,
      tpu.vector_store_idx %arg16[%get3A_134], %gather3A_160 {add = true} : memref<10000xf32, #tpu.memory_space<vmem>>[vector<16xi32>], vector<16xf32>,
      tpu.vector_store_idx %arg17[%get3A_134], %gather3A_168 {add = true} : memref<10000xf32, #tpu.memory_space<vmem>>[vector<16xi32>], vector<16xf32>,
      tpu.vector_store_idx %arg16[%get3A_138], %gather3A_161 {add = true} : memref<10000xf32, #tpu.memory_space<vmem>>[vector<16xi32>], vector<16xf32>,
      tpu.vector_store_idx %arg17[%get3A_138], %gather3A_169 {add = true} : memref<10000xf32, #tpu.memory_space<vmem>>[vector<16xi32>], vector<16xf32>,
    }
    "tpu.region"() ({
      %run_scoped3A = tpu.sem_alloc : memref<!tpu.dma_semaphore, #tpu.memory_space<semaphore_mem>>
      %dma_start3A_35 = tpu.memref_slice %arg13[%sub3A] : memref<10112xf32, #tpu.memory_space<vmem>> -> memref<9984xf32, #tpu.memory_space<vmem>>
      %dma_start3A_36 = tpu.memref_slice %arg6[%mul3A_10] : memref<320000xf32, #tpu.memory_space<hbm>> -> memref<9984xf32, #tpu.memory_space<hbm>>
      %dma_start3A_37 = tpu.memref_slice %arg6[%mul3A_10] : memref<320000xf32, #tpu.memory_space<hbm>> -> memref<9984xf32, #tpu.memory_space<hbm>>
      %dma_start3A_38 = tpu.memref_slice %arg13[%sub3A] : memref<10112xf32, #tpu.memory_space<vmem>> -> memref<9984xf32, #tpu.memory_space<vmem>>
      tpu.enqueue_dma source(%dma_start3A_38 : memref<9984xf32, #tpu.memory_space<vmem>>) target(%dma_start3A_37 : memref<9984xf32, #tpu.memory_space<hbm>>) target_semaphore(%run_scoped3A : memref<!tpu.dma_semaphore, #tpu.memory_space<semaphore_mem>>)
      %dma_wait3A_39 = tpu.memref_slice %arg13[%sub3A] : memref<10112xf32, #tpu.memory_space<vmem>> -> memref<9984xf32, #tpu.memory_space<vmem>>
      %dma_wait3A_40 = tpu.memref_slice %arg6[%mul3A_10] : memref<320000xf32, #tpu.memory_space<hbm>> -> memref<9984xf32, #tpu.memory_space<hbm>>
      %dma_wait3A_41 = tpu.memref_slice %arg6[%mul3A_10] : memref<320000xf32, #tpu.memory_space<hbm>> -> memref<9984xf32, #tpu.memory_space<hbm>>
      %dma_wait3A_42 = tpu.memref_slice %arg13[%sub3A] : memref<10112xf32, #tpu.memory_space<vmem>> -> memref<9984xf32, #tpu.memory_space<vmem>>
      tpu.wait_dma2 semaphore(%run_scoped3A : memref<!tpu.dma_semaphore, #tpu.memory_space<semaphore_mem>>) src(%dma_wait3A_42 : memref<9984xf32, #tpu.memory_space<vmem>>) dst(%dma_wait3A_41 : memref<9984xf32, #tpu.memory_space<hbm>>)
      tpu.yield
    }) : () -> ()
    %eq3A = arith.constant 79 : i32
    %eq3A_33 = arith.cmpi eq, %add3A_4, %eq3A : i32
    %convert_element_type3A = arith.extui %eq3A_33 : i1 to i32
    %cond3A = arith.constant 0 : i32
    %cond3A_34 = arith.cmpi ne, %convert_element_type3A, %cond3A : i32
    scf.if %cond3A_34 {
      %add3A_35 = arith.constant 9984 : i32
      %add3A_36 = arith.addi %sub3A, %add3A_35 : i32
      %add3A_37 = arith.constant 9984 : i32
      %add3A_38 = arith.addi %mul3A_10, %add3A_37 : i32
      "tpu.region"() ({
        %run_scoped3A = tpu.sem_alloc : memref<!tpu.dma_semaphore, #tpu.memory_space<semaphore_mem>>
        %dma_start3A_39 = tpu.memref_slice %arg13[%add3A_36] : memref<10112xf32, #tpu.memory_space<vmem>> -> memref<128xf32, #tpu.memory_space<vmem>>
        %dma_start3A_40 = tpu.memref_slice %arg6[%add3A_38] : memref<320000xf32, #tpu.memory_space<hbm>> -> memref<128xf32, #tpu.memory_space<hbm>>
        %dma_start3A_41 = tpu.memref_slice %arg6[%add3A_38] : memref<320000xf32, #tpu.memory_space<hbm>> -> memref<128xf32, #tpu.memory_space<hbm>>
        %dma_start3A_42 = tpu.memref_slice %arg13[%add3A_36] : memref<10112xf32, #tpu.memory_space<vmem>> -> memref<128xf32, #tpu.memory_space<vmem>>
        tpu.enqueue_dma source(%dma_start3A_42 : memref<128xf32, #tpu.memory_space<vmem>>) target(%dma_start3A_41 : memref<128xf32, #tpu.memory_space<hbm>>) target_semaphore(%run_scoped3A : memref<!tpu.dma_semaphore, #tpu.memory_space<semaphore_mem>>)
        %dma_wait3A_43 = tpu.memref_slice %arg13[%add3A_36] : memref<10112xf32, #tpu.memory_space<vmem>> -> memref<128xf32, #tpu.memory_space<vmem>>
        %dma_wait3A_44 = tpu.memref_slice %arg6[%add3A_38] : memref<320000xf32, #tpu.memory_space<hbm>> -> memref<128xf32, #tpu.memory_space<hbm>>
        %dma_wait3A_45 = tpu.memref_slice %arg6[%add3A_38] : memref<320000xf32, #tpu.memory_space<hbm>> -> memref<128xf32, #tpu.memory_space<hbm>>
        %dma_wait3A_46 = tpu.memref_slice %arg13[%add3A_36] : memref<10112xf32, #tpu.memory_space<vmem>> -> memref<128xf32, #tpu.memory_space<vmem>>
        tpu.wait_dma2 semaphore(%run_scoped3A : memref<!tpu.dma_semaphore, #tpu.memory_space<semaphore_mem>>) src(%dma_wait3A_46 : memref<128xf32, #tpu.memory_space<vmem>>) dst(%dma_wait3A_45 : memref<128xf32, #tpu.memory_space<hbm>>)
        tpu.yield
      }) : () -> ()
    } else {
    }
    "tpu.region"() ({
      %run_scoped3A = tpu.sem_alloc : memref<!tpu.dma_semaphore, #tpu.memory_space<semaphore_mem>>
      %dma_start3A_35 = arith.constant 0 : i32
      %dma_start3A_36 = tpu.memref_slice %arg7[%add3A, %dma_start3A_35] : memref<32x10000xf32, #tpu.memory_space<hbm>> -> memref<1x10000xf32, #tpu.memory_space<hbm>>
      %dma_start3A_37 = tpu.memref_squeeze %dma_start3A_36 : memref<1x10000xf32, #tpu.memory_space<hbm>> -> memref<10000xf32, #tpu.memory_space<hbm>>
      %dma_start3A_38 = arith.constant 0 : i32
      %dma_start3A_39 = tpu.memref_slice %arg7[%add3A, %dma_start3A_38] : memref<32x10000xf32, #tpu.memory_space<hbm>> -> memref<1x10000xf32, #tpu.memory_space<hbm>>
      %dma_start3A_40 = tpu.memref_squeeze %dma_start3A_39 : memref<1x10000xf32, #tpu.memory_space<hbm>> -> memref<10000xf32, #tpu.memory_space<hbm>>
      tpu.enqueue_dma source(%arg16 : memref<10000xf32, #tpu.memory_space<vmem>>) target(%dma_start3A_40 : memref<10000xf32, #tpu.memory_space<hbm>>) target_semaphore(%run_scoped3A : memref<!tpu.dma_semaphore, #tpu.memory_space<semaphore_mem>>)
      %dma_wait3A_41 = arith.constant 0 : i32
      %dma_wait3A_42 = tpu.memref_slice %arg7[%add3A, %dma_wait3A_41] : memref<32x10000xf32, #tpu.memory_space<hbm>> -> memref<1x10000xf32, #tpu.memory_space<hbm>>
      %dma_wait3A_43 = tpu.memref_squeeze %dma_wait3A_42 : memref<1x10000xf32, #tpu.memory_space<hbm>> -> memref<10000xf32, #tpu.memory_space<hbm>>
      %dma_wait3A_44 = arith.constant 0 : i32
      %dma_wait3A_45 = tpu.memref_slice %arg7[%add3A, %dma_wait3A_44] : memref<32x10000xf32, #tpu.memory_space<hbm>> -> memref<1x10000xf32, #tpu.memory_space<hbm>>
      %dma_wait3A_46 = tpu.memref_squeeze %dma_wait3A_45 : memref<1x10000xf32, #tpu.memory_space<hbm>> -> memref<10000xf32, #tpu.memory_space<hbm>>
      tpu.wait_dma2 semaphore(%run_scoped3A : memref<!tpu.dma_semaphore, #tpu.memory_space<semaphore_mem>>) src(%arg16 : memref<10000xf32, #tpu.memory_space<vmem>>) dst(%dma_wait3A_46 : memref<10000xf32, #tpu.memory_space<hbm>>)
      tpu.yield
    }) : () -> ()
    "tpu.region"() ({
      %run_scoped3A = tpu.sem_alloc : memref<!tpu.dma_semaphore, #tpu.memory_space<semaphore_mem>>
      %dma_start3A_35 = arith.constant 0 : i32
      %dma_start3A_36 = tpu.memref_slice %arg8[%add3A, %dma_start3A_35] : memref<32x10000xf32, #tpu.memory_space<hbm>> -> memref<1x10000xf32, #tpu.memory_space<hbm>>
      %dma_start3A_37 = tpu.memref_squeeze %dma_start3A_36 : memref<1x10000xf32, #tpu.memory_space<hbm>> -> memref<10000xf32, #tpu.memory_space<hbm>>
      %dma_start3A_38 = arith.constant 0 : i32
      %dma_start3A_39 = tpu.memref_slice %arg8[%add3A, %dma_start3A_38] : memref<32x10000xf32, #tpu.memory_space<hbm>> -> memref<1x10000xf32, #tpu.memory_space<hbm>>
      %dma_start3A_40 = tpu.memref_squeeze %dma_start3A_39 : memref<1x10000xf32, #tpu.memory_space<hbm>> -> memref<10000xf32, #tpu.memory_space<hbm>>
      tpu.enqueue_dma source(%arg17 : memref<10000xf32, #tpu.memory_space<vmem>>) target(%dma_start3A_40 : memref<10000xf32, #tpu.memory_space<hbm>>) target_semaphore(%run_scoped3A : memref<!tpu.dma_semaphore, #tpu.memory_space<semaphore_mem>>)
      %dma_wait3A_41 = arith.constant 0 : i32
      %dma_wait3A_42 = tpu.memref_slice %arg8[%add3A, %dma_wait3A_41] : memref<32x10000xf32, #tpu.memory_space<hbm>> -> memref<1x10000xf32, #tpu.memory_space<hbm>>
      %dma_wait3A_43 = tpu.memref_squeeze %dma_wait3A_42 : memref<1x10000xf32, #tpu.memory_space<hbm>> -> memref<10000xf32, #tpu.memory_space<hbm>>
      %dma_wait3A_44 = arith.constant 0 : i32
      %dma_wait3A_45 = tpu.memref_slice %arg8[%add3A, %dma_wait3A_44] : memref<32x10000xf32, #tpu.memory_space<hbm>> -> memref<1x10000xf32, #tpu.memory_space<hbm>>
      %dma_wait3A_46 = tpu.memref_squeeze %dma_wait3A_45 : memref<1x10000xf32, #tpu.memory_space<hbm>> -> memref<10000xf32, #tpu.memory_space<hbm>>
      tpu.wait_dma2 semaphore(%run_scoped3A : memref<!tpu.dma_semaphore, #tpu.memory_space<semaphore_mem>>) src(%arg17 : memref<10000xf32, #tpu.memory_space<vmem>>) dst(%dma_wait3A_46 : memref<10000xf32, #tpu.memory_space<hbm>>)
      tpu.yield
    }) : () -> ()
    return
  }
}

module attributes {stable_mosaic.version = 14 : i64} {
  func.func @_combine_body(%arg0: memref<32x10000xf32, #tpu.memory_space<vmem>>, %arg1: memref<32x10000xf32, #tpu.memory_space<vmem>>, %arg2: memref<10000xf32, #tpu.memory_space<vmem>>, %arg3: memref<2xf32, #tpu.memory_space<smem>>, %arg4: memref<10000x2xf32, #tpu.memory_space<vmem>>) attributes {dimension_semantics = [], scalar_prefetch = 0 : i64, scratch_operands = 0 : i64, tpu.core_type = #tpu.core_type<tc>} {
    %get3A = arith.constant 0 : index
    %get3A_0 = vector.load %arg2[%get3A] : memref<10000xf32, #tpu.memory_space<vmem>>, vector<10000xf32>
    %broadcast_in_dim3A = vector.shape_cast %get3A_0 : vector<10000xf32> to vector<1x10000xf32>
    %get3A_1 = arith.constant 0 : index
    %get3A_2 = arith.constant 0 : index
    %get3A_3 = vector.load %arg0[%get3A_1, %get3A_2] : memref<32x10000xf32, #tpu.memory_space<vmem>>, vector<32x10000xf32>
    %mul3A = vector.broadcast %broadcast_in_dim3A : vector<1x10000xf32> to vector<32x10000xf32>
    %mul3A_4 = arith.mulf %get3A_3, %mul3A : vector<32x10000xf32>
    %get3A_5 = arith.constant 0 : index
    %get3A_6 = arith.constant 0 : index
    %get3A_7 = vector.load %arg1[%get3A_5, %get3A_6] : memref<32x10000xf32, #tpu.memory_space<vmem>>, vector<32x10000xf32>
    %mul3A_8 = vector.broadcast %broadcast_in_dim3A : vector<1x10000xf32> to vector<32x10000xf32>
    %mul3A_9 = arith.mulf %get3A_7, %mul3A_8 : vector<32x10000xf32>
    %broadcast_in_dim3A_10 = arith.constant 1.000000e+00 : f32
    %broadcast_in_dim3A_11 = vector.broadcast %broadcast_in_dim3A_10 : f32 to vector<1x10000xf32>
    %broadcast_in_dim3A_12 = arith.constant 0.000000e+00 : f32
    %broadcast_in_dim3A_13 = vector.broadcast %broadcast_in_dim3A_12 : f32 to vector<7x10000xf32>
    %concatenate3A = tpu.concatenate %mul3A_4, %mul3A_9, %broadcast_in_dim3A_11, %broadcast_in_dim3A_13 in 0 : vector<32x10000xf32>, vector<32x10000xf32>, vector<1x10000xf32>, vector<7x10000xf32> -> vector<72x10000xf32>
    %iota3A = tpu.iota {dimensions = array<i32: 0>} : vector<72x2xi32>
    %iota3A_14 = tpu.iota {dimensions = array<i32: 1>} : vector<72x2xi32>
    %eq3A = arith.constant 0 : i32
    %eq3A_15 = vector.broadcast %eq3A : i32 to vector<72x2xi32>
    %eq3A_16 = arith.cmpi eq, %iota3A_14, %eq3A_15 : vector<72x2xi32>
    %get3A_17 = arith.constant 0 : index
    %get3A_18 = memref.load %arg3[%get3A_17] : memref<2xf32, #tpu.memory_space<smem>>
    %get3A_19 = arith.constant 1 : index
    %get3A_20 = memref.load %arg3[%get3A_19] : memref<2xf32, #tpu.memory_space<smem>>
    %broadcast_in_dim3A_21 = vector.broadcast %get3A_18 : f32 to vector<72x2xf32>
    %broadcast_in_dim3A_22 = vector.broadcast %get3A_20 : f32 to vector<72x2xf32>
    %select_n3A = arith.select %eq3A_16, %broadcast_in_dim3A_21, %broadcast_in_dim3A_22 : vector<72x2xi1>, vector<72x2xf32>
    %eq3A_23 = arith.constant 64 : i32
    %eq3A_24 = vector.broadcast %eq3A_23 : i32 to vector<72x2xi32>
    %eq3A_25 = arith.cmpi eq, %iota3A, %eq3A_24 : vector<72x2xi32>
    %gt3A = arith.constant 64 : i32
    %gt3A_26 = vector.broadcast %gt3A : i32 to vector<72x2xi32>
    %gt3A_27 = arith.cmpi sgt, %iota3A, %gt3A_26 : vector<72x2xi32>
    %lt3A = arith.constant 32 : i32
    %lt3A_28 = vector.broadcast %lt3A : i32 to vector<72x2xi32>
    %lt3A_29 = arith.cmpi slt, %iota3A, %lt3A_28 : vector<72x2xi32>
    %eq3A_30 = arith.constant 0 : i32
    %eq3A_31 = vector.broadcast %eq3A_30 : i32 to vector<72x2xi32>
    %eq3A_32 = arith.cmpi eq, %iota3A_14, %eq3A_31 : vector<72x2xi32>
    %eq3A_33 = arith.xori %lt3A_29, %eq3A_32 : vector<72x2xi1>
    %eq3A_34 = arith.constant dense<true> : vector<72x2xi1>
    %eq3A_35 = arith.xori %eq3A_33, %eq3A_34 : vector<72x2xi1>
    %jit3A = arith.constant 1.000000e+00 : f32
    %jit3A_36 = arith.constant 0.000000e+00 : f32
    %broadcast_in_dim3A_37 = vector.broadcast %jit3A : f32 to vector<72x2xf32>
    %broadcast_in_dim3A_38 = vector.broadcast %jit3A_36 : f32 to vector<72x2xf32>
    %select_n3A_39 = arith.select %eq3A_35, %broadcast_in_dim3A_37, %broadcast_in_dim3A_38 : vector<72x2xi1>, vector<72x2xf32>
    %jit3A_40 = arith.constant 0.000000e+00 : f32
    %broadcast_in_dim3A_41 = vector.broadcast %jit3A_40 : f32 to vector<72x2xf32>
    %select_n3A_42 = arith.select %gt3A_27, %broadcast_in_dim3A_41, %select_n3A_39 : vector<72x2xi1>, vector<72x2xf32>
    %select_n3A_43 = arith.select %eq3A_25, %select_n3A, %select_n3A_42 : vector<72x2xi1>, vector<72x2xf32>
    %dot_general3A = arith.constant dense<0.000000e+00> : vector<10000x2xf32>
    %dot_general3A_44 = tpu.matmul %concatenate3A, %select_n3A_43, %dot_general3A {dimension_numbers = #tpu.dot_dimension_numbers<[0], [0], [1], [1], [0, 1, 1, 1], [], []>, transpose_lhs_hint = false} : vector<72x10000xf32>, vector<72x2xf32>, vector<10000x2xf32> -> vector<10000x2xf32>
    %swap3A = arith.constant 0 : index
    %swap3A_45 = arith.constant 0 : index
    %swap3A_46 = vector.load %arg4[%swap3A, %swap3A_45] : memref<10000x2xf32, #tpu.memory_space<vmem>>, vector<10000x2xf32>
    tpu.vector_store %arg4[%swap3A, %swap3A_45], %dot_general3A_44 {strides = array<i32>} : memref<10000x2xf32, #tpu.memory_space<vmem>>, vector<10000x2xf32>,
    return
  }
}

module attributes {stable_mosaic.version = 14 : i64} {
  func.func @_dense_body(%arg0: memref<10000x128xf32, #tpu.memory_space<vmem>>, %arg1: memref<128x64xf32, #tpu.memory_space<vmem>>, %arg2: memref<64xf32, #tpu.memory_space<vmem>>, %arg3: memref<64x1xf32, #tpu.memory_space<vmem>>, %arg4: memref<1xf32, #tpu.memory_space<vmem>>, %arg5: memref<128x2xf32, #tpu.memory_space<vmem>>, %arg6: memref<10000xf32, #tpu.memory_space<vmem>>, %arg7: memref<10000xf32, #tpu.memory_space<vmem>>, %arg8: memref<10000xf32, #tpu.memory_space<vmem>>, %arg9: memref<1x1xf32, #tpu.memory_space<vmem>>) attributes {dimension_semantics = [], scalar_prefetch = 0 : i64, scratch_operands = 0 : i64, tpu.core_type = #tpu.core_type<tc>} {
    %get3A = arith.constant 0 : index
    %get3A_0 = arith.constant 0 : index
    %get3A_1 = vector.load %arg0[%get3A, %get3A_0] : memref<10000x128xf32, #tpu.memory_space<vmem>>, vector<10000x128xf32>
    %get3A_2 = arith.constant 0 : index
    %get3A_3 = arith.constant 0 : index
    %get3A_4 = vector.load %arg1[%get3A_2, %get3A_3] : memref<128x64xf32, #tpu.memory_space<vmem>>, vector<128x64xf32>
    %dot_general3A = arith.constant dense<0.000000e+00> : vector<64x10000xf32>
    %dot_general3A_5 = tpu.matmul %get3A_4, %get3A_1, %dot_general3A {dimension_numbers = #tpu.dot_dimension_numbers<[0], [1], [1], [0], [0, 1, 1, 0], [], []>, transpose_lhs_hint = false} : vector<128x64xf32>, vector<10000x128xf32>, vector<64x10000xf32> -> vector<64x10000xf32>
    %get3A_6 = arith.constant 0 : index
    %get3A_7 = vector.load %arg2[%get3A_6] : memref<64xf32, #tpu.memory_space<vmem>>, vector<64xf32>
    %broadcast_in_dim3A = vector.shape_cast %get3A_7 : vector<64xf32> to vector<64x1xf32>
    %add3A = vector.broadcast %broadcast_in_dim3A : vector<64x1xf32> to vector<64x10000xf32>
    %add3A_8 = arith.addf %dot_general3A_5, %add3A : vector<64x10000xf32>
    %max3A = arith.constant 0.000000e+00 : f32
    %max3A_9 = vector.broadcast %max3A : f32 to vector<64x10000xf32>
    %max3A_10 = arith.maximumf %add3A_8, %max3A_9 : vector<64x10000xf32>
    %get3A_11 = arith.constant 0 : index
    %get3A_12 = arith.constant 0 : index
    %get3A_13 = vector.load %arg3[%get3A_11, %get3A_12] : memref<64x1xf32, #tpu.memory_space<vmem>>, vector<64x1xf32>
    %dot_general3A_14 = arith.constant dense<0.000000e+00> : vector<1x10000xf32>
    %dot_general3A_15 = tpu.matmul %get3A_13, %max3A_10, %dot_general3A_14 {dimension_numbers = #tpu.dot_dimension_numbers<[0], [0], [1], [1], [0, 1, 1, 1], [], []>, transpose_lhs_hint = false} : vector<64x1xf32>, vector<64x10000xf32>, vector<1x10000xf32> -> vector<1x10000xf32>
    %get3A_16 = arith.constant 0 : index
    %get3A_17 = vector.load %arg4[%get3A_16] : memref<1xf32, #tpu.memory_space<vmem>>, vector<1xf32>
    %get3A_18 = vector.extract %get3A_17[0] : f32 from vector<1xf32>
    %add3A_19 = vector.broadcast %get3A_18 : f32 to vector<1x10000xf32>
    %add3A_20 = arith.addf %dot_general3A_15, %add3A_19 : vector<1x10000xf32>
    %logistic3A = arith.negf %add3A_20 : vector<1x10000xf32>
    %logistic3A_21 = math.exp %logistic3A : vector<1x10000xf32>
    %logistic3A_22 = arith.constant 1.000000e+00 : f32
    %logistic3A_23 = vector.broadcast %logistic3A_22 : f32 to vector<1x10000xf32>
    %logistic3A_24 = arith.addf %logistic3A_23, %logistic3A_21 : vector<1x10000xf32>
    %logistic3A_25 = arith.divf %logistic3A_23, %logistic3A_24 : vector<1x10000xf32>
    %get3A_26 = arith.constant 0 : index
    %get3A_27 = arith.constant 0 : index
    %get3A_28 = vector.load %arg5[%get3A_26, %get3A_27] : memref<128x2xf32, #tpu.memory_space<vmem>>, vector<128x2xf32>
    %dot_general3A_29 = arith.constant dense<0.000000e+00> : vector<2x10000xf32>
    %dot_general3A_30 = tpu.matmul %get3A_28, %get3A_1, %dot_general3A_29 {dimension_numbers = #tpu.dot_dimension_numbers<[0], [1], [1], [0], [0, 1, 1, 0], [], []>, transpose_lhs_hint = false} : vector<128x2xf32>, vector<10000x128xf32>, vector<2x10000xf32> -> vector<2x10000xf32>
    %reshape3A = vector.shape_cast %logistic3A_25 : vector<1x10000xf32> to vector<10000xf32>
    %swap3A = arith.constant 0 : index
    %swap3A_31 = vector.load %arg6[%swap3A] : memref<10000xf32, #tpu.memory_space<vmem>>, vector<10000xf32>
    tpu.vector_store %arg6[%swap3A], %reshape3A {strides = array<i32>} : memref<10000xf32, #tpu.memory_space<vmem>>, vector<10000xf32>,
    %slice3A = vector.extract_strided_slice %dot_general3A_30 {offsets = [0, 0], sizes = [1, 10000], strides = [1, 1]} : vector<2x10000xf32> to vector<1x10000xf32>
    %mul3A = arith.mulf %logistic3A_25, %slice3A : vector<1x10000xf32>
    %reshape3A_32 = vector.shape_cast %mul3A : vector<1x10000xf32> to vector<10000xf32>
    %swap3A_33 = arith.constant 0 : index
    %swap3A_34 = vector.load %arg7[%swap3A_33] : memref<10000xf32, #tpu.memory_space<vmem>>, vector<10000xf32>
    tpu.vector_store %arg7[%swap3A_33], %reshape3A_32 {strides = array<i32>} : memref<10000xf32, #tpu.memory_space<vmem>>, vector<10000xf32>,
    %slice3A_35 = vector.extract_strided_slice %dot_general3A_30 {offsets = [1, 0], sizes = [1, 10000], strides = [1, 1]} : vector<2x10000xf32> to vector<1x10000xf32>
    %mul3A_36 = arith.mulf %logistic3A_25, %slice3A_35 : vector<1x10000xf32>
    %reshape3A_37 = vector.shape_cast %mul3A_36 : vector<1x10000xf32> to vector<10000xf32>
    %swap3A_38 = arith.constant 0 : index
    %swap3A_39 = vector.load %arg8[%swap3A_38] : memref<10000xf32, #tpu.memory_space<vmem>>, vector<10000xf32>
    tpu.vector_store %arg8[%swap3A_38], %reshape3A_37 {strides = array<i32>} : memref<10000xf32, #tpu.memory_space<vmem>>, vector<10000xf32>,
    %div3A = arith.constant 0.699999988 : f32
    %div3A_40 = vector.broadcast %div3A : f32 to vector<1x10000xf32>
    %div3A_41 = arith.divf %logistic3A_25, %div3A_40 : vector<1x10000xf32>
    %add3A_42 = arith.constant 9.99999997E-7 : f32
    %add3A_43 = vector.broadcast %add3A_42 : f32 to vector<1x10000xf32>
    %add3A_44 = arith.addf %div3A_41, %add3A_43 : vector<1x10000xf32>
    %log3A = math.log %add3A_44 : vector<1x10000xf32>
    %mul3A_45 = arith.mulf %logistic3A_25, %log3A : vector<1x10000xf32>
    %sub3A = arith.constant 1.000000e+00 : f32
    %sub3A_46 = vector.broadcast %sub3A : f32 to vector<1x10000xf32>
    %sub3A_47 = arith.subf %sub3A_46, %logistic3A_25 : vector<1x10000xf32>
    %sub3A_48 = arith.constant 1.000000e+00 : f32
    %sub3A_49 = vector.broadcast %sub3A_48 : f32 to vector<1x10000xf32>
    %sub3A_50 = arith.subf %sub3A_49, %logistic3A_25 : vector<1x10000xf32>
    %div3A_51 = arith.constant 3.000010e-01 : f32
    %div3A_52 = vector.broadcast %div3A_51 : f32 to vector<1x10000xf32>
    %div3A_53 = arith.divf %sub3A_50, %div3A_52 : vector<1x10000xf32>
    %add3A_54 = arith.constant 9.99999997E-7 : f32
    %add3A_55 = vector.broadcast %add3A_54 : f32 to vector<1x10000xf32>
    %add3A_56 = arith.addf %div3A_53, %add3A_55 : vector<1x10000xf32>
    %log3A_57 = math.log %add3A_56 : vector<1x10000xf32>
    %mul3A_58 = arith.mulf %sub3A_47, %log3A_57 : vector<1x10000xf32>
    %add3A_59 = arith.addf %mul3A_45, %mul3A_58 : vector<1x10000xf32>
    %reduce_sum3A = vector.shape_cast %add3A_59 : vector<1x10000xf32> to vector<1x1x10000xf32>
    %reduce_sum3A_60 = arith.constant dense<0.000000e+00> : vector<1xf32>
    %reduce_sum3A_61 = vector.multi_reduction <add>, %reduce_sum3A, %reduce_sum3A_60 [1, 2] : vector<1x1x10000xf32> to vector<1xf32>
    %reduce_sum3A_62 = vector.shape_cast %reduce_sum3A_61 : vector<1xf32> to vector<1x1x1xf32>
    %reduce_sum3A_63 = vector.extract %reduce_sum3A_62[0, 0, 0] : f32 from vector<1x1x1xf32>
    %div3A_64 = arith.constant 1.000000e+04 : f32
    %div3A_65 = arith.divf %reduce_sum3A_63, %div3A_64 : f32
    %reshape3A_66 = vector.broadcast %div3A_65 : f32 to vector<1x1xf32>
    %swap3A_67 = arith.constant 0 : index
    %swap3A_68 = arith.constant 0 : index
    %swap3A_69 = vector.load %arg9[%swap3A_67, %swap3A_68] : memref<1x1xf32, #tpu.memory_space<vmem>>, vector<1x1xf32>
    tpu.vector_store %arg9[%swap3A_67, %swap3A_68], %reshape3A_66 {strides = array<i32>} : memref<1x1xf32, #tpu.memory_space<vmem>>, vector<1x1xf32>,
    return
  }
}

</mosaic_0001>

<sc_bundles>
// kernel: kernel.5.cloned.1.call-start
scs
__scs_entry_jumppad:
0x0: {  	(pc) =	sbr.rel $0x88, $3  }
0x1: {  	(tag) =	ssettag $0x0;
	lr =	simm.s32 $0x1  }
0x2: {  	[smem:$0x3F99] =	sst lr;
	_ =	strace $0xD0000000  }
0x3: {  	_ = 	snop  }
0x4: {  	_ = 	snop  }
0x5: {  	_ = 	snop  }
0x6: {  	_ = 	snop  }
0x7: {  	_ = 	snop  }
__scs_overlays_trampoline_lowered:
0x8: {  	[smem:$0x3FA8] =	sst s0  }
0x9: {  	[smem:$0x3FA9] =	sst s1  }
0xa: {  	[smem:$0x3FAA] =	sst s2  }
0xb: {  	[smem:$0x3FAB] =	sst s3  }
0xc: {  	[smem:$0x3FAC] =	sst s4  }
0xd: {  	[smem:$0x3FAD] =	sst s5  }
0xe: {  	[smem:$0x3FAE] =	sst s6  }
0xf: {  	[smem:$0x3FAF] =	sst s7  }
0x10: {  	[smem:$0x3FB0] =	sst s8  }
0x11: {  	[smem:$0x3FB1] =	sst s9;
	s0 =	simm.s32 @!p0 $0x0  }
0x12: {  	s1 =	sld [smem:$0x3F97];
	s0 =	simm.s32 @p0 $0x1  }
0x13: {  	[smem:$0x3FB2] =	sst s0;
	s0 =	simm.s32 @!p1 $0x0  }
0x14: {  	s2 =	sld [smem:$0x3F96];
	s0 =	simm.s32 @p1 $0x1  }
0x15: {  	[smem:$0x3FB3] =	sst s0;
	s0 =	simm.s32 @!p2 $0x0  }
0x16: {  	s3 =	sld [smem:$0x3FDB];
	s0 =	simm.s32 @p2 $0x1  }
0x17: {  	s4 =	simm.s32 $0x1BF5;
	[smem:$0x3FB5] =	sst s0  }
0x18: {  	s0 =	sld [smem:$0x3F98];
	_ =	swait.ge [sflag:s4], $0x0  }
0x19: {  	s7 =	sld [smem:$0x3F99]  }
0x1a: {  	s8 =	sadd.s32 $0xFFFFE003, lr  }
0x1b: {  	s9 =	sadd.s32 $0xFFFFFEF7, lr;
	s5 =	simm.s32 $0xFFFFFFFF;
	p2 =	slt.u32 s8, $0xFFFFF086  }
0x1c: {  	p1 =	slt.u32 s9, $0xF7A;
	s5 =	simm.s32 @!p2 $0x0  }
0x1d: {  	s5 =	simm.s32 @p1 $0x1;
	p0 =	seq.s32 s7, s2  }
0x1e: {  	s7 =	smul.u32 @!p0 $0xF7A, s2;
	p2 =	seq.s32 @!p0 s5, $0x0  }
0x1f: {  	s9 =	smul.u32 $0xF7A, s1;
	s8 =	simm.s32 @!p0 $0x1BF5;
	p2 =	por !p2, p0  }
0x20: {  	[sflag:s8] =	ssyncset.s32 @!p0 $0xFFFFF086;
	s6 =	sadd.s32 @!p0 s3, s7;
	s7 =	simm.s32 @!p0 $0x108  }
0x21: {  	s3 =	sadd.s32 s3, s9;
	s6 =	sadd.s32 @!p0 $0x88, s6;
	s7 =	simm.s32 @p2 $0x1082  }
0x22: {  	[simem:s7], [sflag:s8] =	dma.local @!p0 [hbm:s6], $0xF7A  }
0x23: {  	s9 =	sor.u32 $0xD0000000, s2;
	s6 =	simm.s32 $0x108;
	_ =	swait.ge @!p0 [sflag:s8], $0x0  }
0x24: {  	s3 =	sadd.s32 $0x88, s3;
	s6 =	simm.s32 @!p1 $0x1082;
	[sflag:s4] =	ssyncset.s32 $0xFFFFF086  }
0x25: {  	[simem:s6], [sflag:s4] =	dma.local [hbm:s3], $0xF7A  }
0x26: {  	[smem:$0x3F99] =	sst s1;
	(tag) =	ssettag s2;
	_ =	strace s9  }
0x27: {  	s1 =	sld [smem:$0x3FA9]  }
0x28: {  	s2 =	sld [smem:$0x3FAA]  }
0x29: {  	s4 =	sld [smem:$0x3FAC]  }
0x2a: {  	p0 =	seq.s32 s5, $0x0;
	s5 =	sld [smem:$0x3FAD]  }
0x2b: {  	s6 =	sld [smem:$0x3FAE]  }
0x2c: {  	s7 =	sld [smem:$0x3FAF]  }
0x2d: {  	s3 =	simm.s32 $0x108;
	s8 =	sld [smem:$0x3FB0]  }
0x2e: {  	s3 =	simm.s32 @!p0 $0x1082;
	s9 =	sld [smem:$0x3FB1]  }
0x2f: {  	lr =	sadd.s32 s0, s3;
	s0 =	sld [smem:$0x3FA8]  }
0x30: {  	s3 =	sld [smem:$0x3FAB]  }
0x31: {  	[smem:$0x3FB4] =	sst s10  }
0x32: {  	s10 =	sld [smem:$0x3FB2];
	_ =	sdelay $0x3  }
0x33: {  	p0 =	seq.s32 s10, $0x1;
	s10 =	sld [smem:$0x3FB4];
	_ =	sdelay $0x3  }
0x34: {  	[smem:$0x3FB4] =	sst s10  }
0x35: {  	s10 =	sld [smem:$0x3FB3];
	_ =	sdelay $0x3  }
0x36: {  	p1 =	seq.s32 s10, $0x1;
	s10 =	sld [smem:$0x3FB4];
	_ =	sdelay $0x3  }
0x37: {  	[smem:$0x3FB4] =	sst s10  }
0x38: {  	s10 =	sld [smem:$0x3FB5]  }
0x39: {  	_ = 	snop;
	(pc) =	sbr.ind lr, $3  }
0x3a: {  	_ = 	snop  }
0x3b: {  	_ = 	snop  }
0x3c: {  	p2 =	seq.s32 s10, $0x1;
	s10 =	sld [smem:$0x3FB4]  }
0x3d: {  	_ =	shalt  }
0x3e: {  	_ =	shalt  }
0x3f: {  	_ =	shalt  }
0x40: {  	_ =	shalt  }
0x41: {  	_ =	shalt  }
0x42: {  	_ =	shalt  }
0x43: {  	_ =	shalt  }
0x44: {  	_ =	shalt  }
0x45: {  	_ =	shalt  }
0x46: {  	_ =	shalt  }
0x47: {  	_ =	shalt  }
0x48: {  	_ =	shalt  }
0x49: {  	_ =	shalt  }
0x4a: {  	_ =	shalt  }
0x4b: {  	_ =	shalt  }
0x4c: {  	_ =	shalt  }
0x4d: {  	_ =	shalt  }
0x4e: {  	_ =	shalt  }
0x4f: {  	_ =	shalt  }
0x50: {  	_ =	shalt  }
0x51: {  	_ =	shalt  }
0x52: {  	_ =	shalt  }
0x53: {  	_ =	shalt  }
0x54: {  	_ =	shalt  }
0x55: {  	_ =	shalt  }
0x56: {  	_ =	shalt  }
0x57: {  	_ =	shalt  }
0x58: {  	_ =	shalt  }
0x59: {  	_ =	shalt  }
0x5a: {  	_ =	shalt  }
0x5b: {  	_ =	shalt  }
0x5c: {  	_ =	shalt  }
0x5d: {  	_ =	shalt  }
0x5e: {  	_ =	shalt  }
0x5f: {  	_ =	shalt  }
0x60: {  	_ =	shalt  }
0x61: {  	_ =	shalt  }
0x62: {  	_ =	shalt  }
0x63: {  	_ =	shalt  }
0x64: {  	_ =	shalt  }
0x65: {  	_ =	shalt  }
0x66: {  	_ =	shalt  }
0x67: {  	_ =	shalt  }
0x68: {  	_ =	shalt  }
0x69: {  	_ =	shalt  }
0x6a: {  	_ =	shalt  }
0x6b: {  	_ =	shalt  }
0x6c: {  	_ =	shalt  }
0x6d: {  	_ =	shalt  }
0x6e: {  	_ =	shalt  }
0x6f: {  	_ =	shalt  }
0x70: {  	_ =	shalt  }
0x71: {  	_ =	shalt  }
0x72: {  	_ =	shalt  }
0x73: {  	_ =	shalt  }
0x74: {  	_ =	shalt  }
0x75: {  	_ =	shalt  }
0x76: {  	_ =	shalt  }
0x77: {  	_ =	shalt  }
0x78: {  	_ =	shalt  }
0x79: {  	_ =	shalt  }
0x7a: {  	_ =	shalt  }
0x7b: {  	_ =	shalt  }
0x7c: {  	_ =	shalt  }
0x7d: {  	_ =	shalt  }
0x7e: {  	_ =	shalt  }
0x7f: {  	_ =	shalt  }
0x80: {  	_ =	shalt  }
0x81: {  	_ =	shalt  }
0x82: {  	_ =	shalt  }
0x83: {  	_ =	shalt  }
0x84: {  	_ =	shalt  }
0x85: {  	_ =	shalt  }
0x86: {  	_ =	shalt  }
0x87: {  	_ =	shalt  }
.Lfunc_end0:
.L_simem_size_0:
called_computation_lowered:
.L_overlay_start_0:
0x88: {  	s2 =	sld [smem:$0x3FD9]  }
0x89: {  	s3 =	sld [smem:$0x3FFE];
	_ =	sdelay $0x1  }
0x8a: {  	s1 =	srdreg.scid  }
0x8b: {  	s0 =	sand.u32 $0x1, s1  }
0x8c: {  	s14 =	sshll.u32 s0, $0xA;
	s2 =	sadd.s32 s3, s2  }
0x8d: {  	s2 =	sadd.s32 s2, s14  }
0x8e: {  	[smem:$0x3FC0] =	sst s2  }
0x8f: {  	_ = 	snop  }
0x90: {  	s2 =	sld [smem:$0x3FD0];
	_ =	sdelay $0x2  }
0x91: {  	s4 =	simm.s32 $0xA;
	s5 =	simm.s32 $0x10;
	s15 =	sld [smem:$0x3FC8]  }
0x92: {  	[smem:s5], [sflag:s4] =	dma.local [hbm:s2], $0x1  }
0x93: {  	_ =	swait.eq [sflag:s4], $0x1  }
0x94: {  	[sflag:s4] =	ssyncset.done $0x0  }
0x95: {  	s16 =	sld [smem:$0x10];
	[sflag:s4] =	ssyncadd.s32 $0xFFFFFFFF  }
0x96: {  	s17 =	sld [smem:$0x11];
	(tm) =	ssettm $0x1  }
0x97: {  	s18 =	sld [smem:$0x3FFB];
	_ =	sdelay $0x3  }
0x98: {  	_ =	strace s18  }
0x99: {  	s5 =	sld [smem:$0x3FFC];
	_ =	sdelay $0x3  }
0x9a: {  	_ =	strace s5  }
0x9b: {  	s5 =	sld [smem:$0x3FFD];
	_ =	sdelay $0x3  }
0x9c: {  	_ =	strace s5  }
0x9d: {  	_ =	strace $0x8FFFFFFF  }
0x9e: {  	s19 =	sld [smem:$0x3FDB];
	_ =	sdelay $0x1  }
0x9f: {  	s6 =	simm.s32 $_scs_section_size  }
0xa0: {  	s7 =	simm.s32 $_size__tile_overlayer_lowered;
	s8 =	simm.s32 $_tile_overlayer_lowered  }
0xa1: {  	s22 =	simm.s32 $0x1BFF;
	s21 =	sshll.u32 s8, $0x1;
	s5 =	sadd.s32 s6, s19  }
0xa2: {  	s9 =	simm.s32 $0x0;
	s20 =	sshll.u32 s7, $0x1;
	s7 =	sadd.s32 s21, s5  }
0xa3: {  	[timem:s9], [sflag:s22] =	dma.local [hbm:s7], s20  }
0xa4: {  	_ =	swait.ge [sflag:s22], s20  }
0xa5: {  	s6 =	ssub.s32 $0x0, s20;
	[sflag:s22] =	ssyncset.done $0x0  }
0xa6: {  	[sflag:s22] =	ssyncadd.s32 s6;
	_ =	sdelay $0x1  }
0xa7: {  	s23 =	simm.s32 $0x1B8B  }
0xa8: {  	_ =	swait.ge [sflag:s23], $0x1  }
0xa9: {  	[sflag:s23] =	ssyncset.done $0x0  }
0xaa: {  	s25 =	simm.s32 $0x1B8E;
	s24 =	sld [smem:$0x3FFE];
	[sflag:s23] =	ssyncadd.s32 $0xFFFFFFFF  }
0xab: {  	s26 =	simm.s32 $execute0_lowered;
	[smem:$0x3FD2] =	sst s25  }
0xac: {  	s7 =	sshll.u32 s26, $0x1;
	_ =	strace $0x80000046;
	[dreg:$0x1] =	wrdreg $0xFFFFFFFF  }
0xad: {  	s28 =	simm.s32 $_size_execute0_lowered;
	s5 =	sadd.s32 s5, s7;
	[dreg:$0x0] =	wrdreg $0x0  }
0xae: {  	s7 =	sshll.u32 s28, $0x1;
	[dreg:$0x2] =	wrdreg s5  }
0xaf: {  	[dreg:$0x3] =	wrdreg s7  }
0xb0: {  	[dreg:$0x4] =	wrdreg $0xC0  }
0xb1: {  	_ =	task [dreg:s9], $0x5FFFF  }
0xb2: {  	[dreg:$0x1] =	wrdreg $0xFFFFFFFF  }
0xb3: {  	[dreg:$0x0] =	wrdreg $0x60  }
0xb4: {  	[dreg:$0x2] =	wrdreg s15  }
0xb5: {  	[dreg:$0x3] =	wrdreg s16  }
0xb6: {  	[dreg:$0x4] =	wrdreg s24  }
0xb7: {  	[dreg:$0x5] =	wrdreg s17  }
0xb8: {  	[dreg:$0x6] =	wrdreg $0x9  }
0xb9: {  	_ =	task.clear_ibuf [dreg:s9], $0x7FFFF;
	_ =	strace $0x90000046  }
0xba: {  	s29 =	simm.s32 $0x9;
	_ =	strace $0x80000048  }
0xbb: {  	_ =	swait.ge [sflag:s29], $0x1  }
0xbc: {  	[sflag:s29] =	ssyncadd.s32 $0xFFFFFFFF  }
0xbd: {  	_ =	strace $0x90000048  }
0xbe: {  	_ =	sfence  }
0xbf: {  	s30 =	sld [smem:$0x0];
	_ =	sdelay $0x2  }
0xc0: {  	s31 =	sshll.u32 s1, $0xD;
	s1 =	sshrl.u32 s1, $0x2  }
0xc1: {  	s3 =	sand.u32 $0x4000, s31;
	s1 =	sadd.s32 s1, s30  }
0xc2: {  	s0 =	sor.u32 s3, s0;
	s1 =	sshll.u32 s1, $0x11  }
0xc3: {  	s0 =	sor.u32 s1, s0  }
0xc4: {  	s0 =	sadd.s32 $0x8F2B, s0  }
0xc5: {  	[sflag:s0] =	ssyncadd.remote.s32 $0x1  }
0xc6: {  	_ =	sfence.sel $0xFFFF  }
0xc7: {  	[dreg:$0x0] =	wrdreg $0xFFFFFFFF;
	(pc) =	sbr.abs _section_cstart, $3  }
0xc8: {  	[dreg:$0x1] =	wrdreg $0xFFFFFFFF  }
0xc9: {  	_ =	task.clear_ibuf [dreg:s9], $0x2FFFF;
	_ =	strace $0x9FFFFFFF  }
0xca: {  	(tm) =	ssettm $0x7FFFFFFF  }
0xcb: {  	_ =	shalt  }
tec
execute0_lowered:
.L_overlay_start_1:
0x0: {  	(tag) =	ssettag $0x1  }
0x1: {  	s7 =	rddreg [dreg:$0x0]  }
0x2: {  	s2 =	rddreg [dreg:$0x1]  }
0x3: {  	s6 =	rddreg [dreg:$0x2]  }
0x4: {  	s10 =	rddreg [dreg:$0x3];
	s3 =	srdreg.scid  }
0x5: {  	s1 =	stileid.u32;
	s0 =	rddreg [dreg:$0x4];
	s8 =	sand.u32 $0x1, s3  }
0x6: {  	s4 =	sshll.u32 s1, $0x1;
	s3 =	simm.s32 $0x0;
	s19 =	sshrl.u32 s1, $0x2  }
0x7: {  	s5 =	sadd.s32 $0x2200, s6;
	p0 =	slt.u32 s1, $0x2;
	s25 =	smul.u32 $0x9C, s1  }
0x8: {  	s9 =	sor.u32 s8, s4;
	[smem:$0x7FF] =	sst s3;
	s11 =	smul.u32 $0x13C00, s19  }
0x9: {  	s4 =	sadd.s32 $0x1C00, s6;
	s21 =	ssub.s32 $0x2, s8;
	s8 =	smul.u32 $0x4E, s8  }
0xa: {  	s20 =	sshll.u32 s9, $0x7;
	_ =	strace $0x80000047;
	s13 =	smul.u32 $0x4E, s9  }
0xb: {  	s22 =	sshrl.u32 s21, $0x1;
	s9 =	smin.u32 s9, $0x4;
	s12 =	sand.u32 $0x380, s20  }
0xc: {  	s15 =	ssub.s32 s21, s22;
	s20 =	simm.s32 $0x1;
	s21 =	simm.s32 $0xED00  }
0xd: {  	s22 =	simm.s32 $0x11480;
	s11 =	sor.u32 s11, s12;
	s23 =	sadd.s32 s9, s13  }
0xe: {  	s9 =	sadd.s32 s25, s9;
	s25 =	simm.s32 $0x400;
	s11 =	sshrl.u32 s11, $0x3  }
0xf: {  	s24 =	sshll.u32 s23, $0x7;
	s13 =	sadd.s32 s8, s9;
	s14 =	sadd.s32 s11, s6  }
0x10: {  	s6 =	simm.s32 $0x4F;
	s16 =	smin.u32 s24, $0x4BA80;
	s11 =	sshll.u32 s23, $0x4  }
0x11: {  	s26 =	sshrl.u32 s24, $0x3;
	s28 =	sshll.u32 s13, $0x7;
	s18 =	sshll.u32 s13, $0x9  }
0x12: {  	s31 =	sshll.u32 s13, $0xA;
	s23 =	simm.s32 $0x2;
	s6 =	simm.s32 @!p0 $0x4E  }
0x13: {  	s17 =	ssub.s32 s24, s16;
	s16 =	sshrl.u32 s16, $0x2;
	s8 =	sadd.s32 s10, s11  }
0x14: {  	s10 =	sadd.s32 s10, s26;
	s29 =	smin.u32 s28, $0x4BA80;
	s12 =	sadd.s32 $0x2800, s14  }
0x15: {  	s13 =	sadd.s32 $0xC600, s14;
	s14 =	smax.u32 s15, $0x1;
	p0 =	sgt.u32 s1, $0x1  }
0x16: {  	s24 =	simm.s32 $0x80;
	s26 =	simm.s32 $0x0;
	s7 =	sadd.s32 s7, s16  }
0x17: {  	s9 =	sadd.s32 $0xC580, s17;
	s10 =	sadd.s32 $0x4E0, s10;
	s19 =	sshll.u32 s29, $0x2  }
0x18: {  	s11 =	sadd.s32 $0xEC80, s17;
	s16 =	sshll.u32 s29, $0x3;
	s30 =	ssub.s32 s18, s19  }
0x19: {  	s16 =	ssub.s32 s31, s16;
	s18 =	simm.s32 $0x7680;
	s17 =	sor.u32 $0x100, s30  }
0x1a: {  	s19 =	simm.s32 $0x9E00;
	s16 =	sor.u32 $0x200, s16;
	s17 =	sshra.s32 s17, $0x2  }
0x1b: {  	v0 =	vimm.f32 $0.0e+00;
	s16 =	sshra.s32 s16, $0x2;
	s15 =	sadd.s32 $0xC580, s17;
	s17 =	simm.s32 $0x4F00  }
.LBB2_1:
0x1c: {  	[tilespmem:s3], [sflag:$0x1] =	stream.linear.gather [hbm4b:s7+s3], $0x4F00, $0x38;
	[tilespmem:$0x13C00] =	vst v63  }
0x1d: {  	_ = 	snop  }
0x1e: {  	[tilespmem:s17], [sflag:$0x1] =	stream.linear.gather [hbm4b:s2+s3], $0x2780, $0x38;
	[tilespmem:$0x13C00] =	vst v63  }
0x1f: {  	_ = 	snop  }
0x20: {  	[tilespmem:s18], [sflag:$0x1] =	stream.linear.gather [hbm4b:s4+s3], $0x2780, $0x38;
	[tilespmem:$0x13C00] =	vst v63  }
0x21: {  	s28 =	simm.s32 $0x0;
	s29 =	simm.s32 $0x140  }
0x22: {  	[tilespmem:s19], [sflag:$0x1] =	stream.linear.gather [hbm4b:s5+s3], $0x2780, $0x38;
	[tilespmem:$0x13C00] =	vst v63  }
.LBB2_2:
0x23: {  	p1 =	sne.s32 s29, $0x9B00;
	[tilespmem:s28+$0x114C0] =	vst v0  }
0x24: {  	[tilespmem:s28+$0xED00] =	vst v0  }
0x25: {  	[tilespmem:s28+$0x11480] =	vst v0  }
0x26: {  	[tilespmem:s28+$0xED10] =	vst v0  }
0x27: {  	[tilespmem:s28+$0x11490] =	vst v0  }
.Ltmp0:
0x28: {  	[tilespmem:s28+$0xED20] =	vst v0;
	(pc) =	sbr.rel @p1 .LBB2_2-.Ltmp0, $4  }
0x29: {  	[tilespmem:s28+$0x114A0] =	vst v0  }
0x2a: {  	[tilespmem:s28+$0xED30] =	vst v0  }
0x2b: {  	[tilespmem:s28+$0x114B0] =	vst v0  }
0x2c: {  	[tilespmem:s28+$0xED40] =	vst v0;
	s28 =	sshra.s32 s29, $0x2;
	s29 =	sadd.s32 $0x140, s29  }
0x2d: {  	[tilespmem:s28+$0x114C0] =	vst v0  }
0x2e: {  	[tilespmem:s28+$0xED00] =	vst v0  }
0x2f: {  	[tilespmem:s28+$0x11480] =	vst v0  }
0x30: {  	[tilespmem:s28+$0xED10] =	vst v0  }
0x31: {  	[tilespmem:s28+$0x11490] =	vst v0  }
0x32: {  	[tilespmem:s28+$0xED20] =	vst v0  }
0x33: {  	[tilespmem:s28+$0x114A0] =	vst v0  }
0x34: {  	[tilespmem:s28+$0xED30] =	vst v0  }
0x35: {  	[tilespmem:s28+$0x114B0] =	vst v0  }
0x36: {  	[tilespmem:s28+$0xED40] =	vst v0  }
0x37: {  	_ =	swait.ge [sflag:s20], $0x4F00  }
0x38: {  	[sflag:s20] =	ssyncset.done $0x0  }
0x39: {  	[sflag:s20] =	ssyncadd.s32 $0xFFFFB100  }
0x3a: {  	_ =	swait.ge [sflag:s20], $0x2780  }
0x3b: {  	[sflag:s20] =	ssyncset.done $0x0  }
0x3c: {  	[sflag:s20] =	ssyncadd.s32 $0xFFFFD880  }
0x3d: {  	_ =	swait.ge [sflag:s20], $0x2780  }
0x3e: {  	[sflag:s20] =	ssyncset.done $0x0  }
0x3f: {  	[sflag:s20] =	ssyncadd.s32 $0xFFFFD880  }
0x40: {  	_ =	swait.ge [sflag:s20], $0x2780  }
0x41: {  	[sflag:s20] =	ssyncset.done $0x0  }
0x42: {  	[sflag:s20] =	ssyncadd.s32 $0xFFFFD880  }
0x43: {  	v16 =	vld [tilespmem:s16+$0x10]  }
0x44: {  	v1 =	vld [tilespmem:s16+$0x70]  }
0x45: {  	v2 =	vld [tilespmem:s16+$0x50]  }
0x46: {  	v17 =	vld [tilespmem:s16+$0x20]  }
0x47: {  	v8 =	vld [tilespmem:s16+$0xFFFFFF80]  }
0x48: {  	v18 =	vld [tilespmem:s16+$0x0]  }
0x49: {  	v3 =	vld [tilespmem:s16+$0x60]  }
0x4a: {  	v7 =	vld [tilespmem:s16+$0xFFFFFFD0]  }
0x4b: {  	v19 =	vld [tilespmem:s16+$0xFFFFFF90]  }
0x4c: {  	v4 =	vld [tilespmem:s16+$0x40]  }
0x4d: {  	v21 =	vld [tilespmem:s16+$0xFFFFFFC0]  }
0x4e: {  	v10 =	vld [tilespmem:s16+$0xFFFFFFB0]  }
0x4f: {  	v14 =	vld [tilespmem:s16+$0xFFFFFFE0]  }
0x50: {  	v12 =	vld [tilespmem:s16+$0xFFFFFFF0]  }
0x51: {  	v13 =	vld [tilespmem:s16+$0xFFFFFFA0]  }
0x52: {  	v20 =	vld.idx.msk [tilespmem:v2+s17+$0x0], $0xffff  }
0x53: {  	v22 =	vld.idx.msk [tilespmem:v18+s17+$0x0], $0xffff  }
0x54: {  	v5 =	vld.idx.msk [tilespmem:v7+s19+$0x0], $0xffff  }
0x55: {  	v6 =	vld.idx.msk [tilespmem:v7+s18+$0x0], $0xffff  }
0x56: {  	v23 =	vld.idx.msk [tilespmem:v7+s17+$0x0], $0xffff  }
0x57: {  	v7 =	vld [tilespmem:s16+$0x30]  }
0x58: {  	v9 =	vld.idx.msk [tilespmem:v10+s19+$0x0], $0xffff  }
0x59: {  	v24 =	vld.idx.msk [tilespmem:v10+s17+$0x0], $0xffff  }
0x5a: {  	v11 =	vld.idx.msk [tilespmem:v10+s18+$0x0], $0xffff  }
0x5b: {  	v25 =	vld.idx.msk [tilespmem:v8+s19+$0x0], $0xffff  }
0x5c: {  	v26 =	vld.idx.msk [tilespmem:v8+s18+$0x0], $0xffff  }
0x5d: {  	v27 =	vld.idx.msk [tilespmem:v8+s17+$0x0], $0xffff  }
0x5e: {  	v8 =	vld.idx.msk [tilespmem:v12+s19+$0x0], $0xffff  }
0x5f: {  	v10 =	vld.idx.msk [tilespmem:v12+s18+$0x0], $0xffff  }
0x60: {  	v28 =	vld.idx.msk [tilespmem:v12+s17+$0x0], $0xffff  }
0x61: {  	v30 =	vld.idx.msk [tilespmem:v17+s17+$0x0], $0xffff  }
0x62: {  	v31 =	vld.idx.msk [tilespmem:v13+s19+$0x0], $0xffff  }
0x63: {  	v32 =	vld.idx.msk [tilespmem:v13+s17+$0x0], $0xffff  }
0x64: {  	v33 =	vld.idx.msk [tilespmem:v3+s17+$0x0], $0xffff  }
0x65: {  	v34 =	vld.idx.msk [tilespmem:v13+s18+$0x0], $0xffff  }
0x66: {  	v12 =	vld.idx.msk [tilespmem:v14+s18+$0x0], $0xffff  }
0x67: {  	v13 =	vld.idx.msk [tilespmem:v14+s19+$0x0], $0xffff  }
0x68: {  	v35 =	vld.idx.msk [tilespmem:v14+s17+$0x0], $0xffff  }
0x69: {  	v36 =	vld.idx.msk [tilespmem:v19+s18+$0x0], $0xffff  }
0x6a: {  	v37 =	vld.idx.msk [tilespmem:v19+s19+$0x0], $0xffff  }
0x6b: {  	v14 =	vld.idx.msk [tilespmem:v21+s18+$0x0], $0xffff  }
0x6c: {  	v15 =	vld.idx.msk [tilespmem:v21+s19+$0x0], $0xffff  }
0x6d: {  	v38 =	vld.idx.msk [tilespmem:v1+s17+$0x0], $0xffff  }
0x6e: {  	v21 =	vld.idx.msk [tilespmem:v21+s17+$0x0], $0xffff  }
0x6f: {  	v39 =	vld.idx.msk [tilespmem:v16+s17+$0x0], $0xffff  }
0x70: {  	v60 =	vld.idx.msk [tilespmem:v4+s17+$0x0], $0xffff;
	v22 =	vmul.f32 v22, v27  }
0x71: {  	v19 =	vld.idx.msk [tilespmem:v19+s17+$0x0], $0xffff;
	v30 =	vmul.f32 v30, v32  }
0x72: {  	v20 =	vmul.f32 v20, v23;
	v29 =	vld.idx.msk [tilespmem:v7+s17+$0x0], $0xffff;
	[tilespmem:s15+$0xFFFFFFC0] =	vst v22  }
0x73: {  	v61 =	vmul.f32 v38, v28;
	[tilespmem:s15+$0xFFFFFFE0] =	vst v30  }
0x74: {  	v63 =	vmul.f32 v33, v35;
	[tilespmem:s15+$0x10] =	vst v20  }
0x75: {  	v21 =	vmul.f32 v60, v21;
	[tilespmem:s15+$0x30] =	vst v61  }
0x76: {  	v19 =	vmul.f32 v39, v19;
	[tilespmem:s15+$0x20] =	vst v63  }
0x77: {  	[tilespmem:s15+$0x0] =	vst v21;
	v62 =	vmul.f32 v29, v24  }
0x78: {  	[tilespmem:s15+$0xFFFFFFD0] =	vst v19  }
0x79: {  	[tilespmem:s15+$0xFFFFFFF0] =	vst v62  }
0x7a: {  	p1 =	sne.s32 s6, $0x1;
	[tilespmem:v18+s21+$0x0] =	vst.idx.add.f32.msk $0xffff, v26  }
.Ltmp1:
0x7b: {  	[tilespmem:v18+s22+$0x0] =	vst.idx.add.f32.msk $0xffff, v25;
	(pc) =	sbr.rel @!p1 .LBB2_5-.Ltmp1, $4  }
0x7c: {  	[tilespmem:v16+s21+$0x0] =	vst.idx.add.f32.msk $0xffff, v36  }
0x7d: {  	[tilespmem:v16+s22+$0x0] =	vst.idx.add.f32.msk $0xffff, v37  }
0x7e: {  	[tilespmem:v17+s21+$0x0] =	vst.idx.add.f32.msk $0xffff, v34  }
0x7f: {  	s28 =	sadd.s32 $0xFFFFFFFF, s6;
	s29 =	smov.u32 s15;
	s30 =	smov.u32 s16;
	[tilespmem:v17+s22+$0x0] =	vst.idx.add.f32.msk $0xffff, v31  }
.LBB2_4:
0x80: {  	p1 =	sne.s32 s28, $0x1;
	[tilespmem:v7+s21+$0x0] =	vst.idx.add.f32.msk $0xffff, v11;
	s29 =	sadd.s32 $0x80, s29;
	s30 =	sadd.s32 $0x100, s30  }
0x81: {  	s28 =	sadd.s32 $0xFFFFFFFF, s28;
	[tilespmem:v7+s22+$0x0] =	vst.idx.add.f32.msk $0xffff, v9  }
0x82: {  	[tilespmem:v4+s21+$0x0] =	vst.idx.add.f32.msk $0xffff, v14  }
0x83: {  	[tilespmem:v4+s22+$0x0] =	vst.idx.add.f32.msk $0xffff, v15  }
0x84: {  	[tilespmem:v2+s21+$0x0] =	vst.idx.add.f32.msk $0xffff, v6  }
0x85: {  	[tilespmem:v2+s22+$0x0] =	vst.idx.add.f32.msk $0xffff, v5  }
0x86: {  	[tilespmem:v3+s21+$0x0] =	vst.idx.add.f32.msk $0xffff, v12  }
0x87: {  	[tilespmem:v3+s22+$0x0] =	vst.idx.add.f32.msk $0xffff, v13  }
0x88: {  	[tilespmem:v1+s21+$0x0] =	vst.idx.add.f32.msk $0xffff, v10  }
0x89: {  	[tilespmem:v1+s22+$0x0] =	vst.idx.add.f32.msk $0xffff, v8  }
0x8a: {  	v16 =	vld [tilespmem:s30+$0x10]  }
0x8b: {  	v1 =	vld [tilespmem:s30+$0x70]  }
0x8c: {  	v2 =	vld [tilespmem:s30+$0x50]  }
0x8d: {  	v17 =	vld [tilespmem:s30+$0x20]  }
0x8e: {  	v8 =	vld [tilespmem:s30+$0xFFFFFF80]  }
0x8f: {  	v18 =	vld [tilespmem:s30+$0x0]  }
0x90: {  	v3 =	vld [tilespmem:s30+$0x60]  }
0x91: {  	v7 =	vld [tilespmem:s30+$0xFFFFFFD0]  }
0x92: {  	v19 =	vld [tilespmem:s30+$0xFFFFFF90]  }
0x93: {  	v4 =	vld [tilespmem:s30+$0x40]  }
0x94: {  	v20 =	vld.idx.msk [tilespmem:v2+s17+$0x0], $0xffff  }
0x95: {  	v21 =	vld [tilespmem:s30+$0xFFFFFFC0]  }
0x96: {  	v10 =	vld [tilespmem:s30+$0xFFFFFFB0]  }
0x97: {  	v22 =	vld.idx.msk [tilespmem:v18+s17+$0x0], $0xffff  }
0x98: {  	v14 =	vld [tilespmem:s30+$0xFFFFFFE0]  }
0x99: {  	v5 =	vld.idx.msk [tilespmem:v7+s19+$0x0], $0xffff  }
0x9a: {  	v6 =	vld.idx.msk [tilespmem:v7+s18+$0x0], $0xffff  }
0x9b: {  	v23 =	vld.idx.msk [tilespmem:v7+s17+$0x0], $0xffff  }
0x9c: {  	v7 =	vld [tilespmem:s30+$0x30]  }
0x9d: {  	v12 =	vld [tilespmem:s30+$0xFFFFFFF0]  }
0x9e: {  	v9 =	vld.idx.msk [tilespmem:v10+s19+$0x0], $0xffff  }
0x9f: {  	v13 =	vld.idx.msk [tilespmem:v10+s17+$0x0], $0xffff  }
0xa0: {  	v11 =	vld.idx.msk [tilespmem:v10+s18+$0x0], $0xffff  }
0xa1: {  	v15 =	vld [tilespmem:s30+$0xFFFFFFA0]  }
0xa2: {  	v24 =	vld.idx.msk [tilespmem:v8+s19+$0x0], $0xffff  }
0xa3: {  	v25 =	vld.idx.msk [tilespmem:v8+s18+$0x0], $0xffff  }
0xa4: {  	v26 =	vld.idx.msk [tilespmem:v8+s17+$0x0], $0xffff  }
0xa5: {  	v8 =	vld.idx.msk [tilespmem:v12+s19+$0x0], $0xffff  }
0xa6: {  	v10 =	vld.idx.msk [tilespmem:v12+s18+$0x0], $0xffff  }
0xa7: {  	v27 =	vld.idx.msk [tilespmem:v12+s17+$0x0], $0xffff  }
0xa8: {  	v28 =	vld.idx.msk [tilespmem:v7+s17+$0x0], $0xffff  }
0xa9: {  	v29 =	vld.idx.msk [tilespmem:v17+s17+$0x0], $0xffff  }
0xaa: {  	v30 =	vld.idx.msk [tilespmem:v15+s19+$0x0], $0xffff  }
0xab: {  	v31 =	vld.idx.msk [tilespmem:v15+s17+$0x0], $0xffff  }
0xac: {  	v32 =	vld.idx.msk [tilespmem:v3+s17+$0x0], $0xffff  }
0xad: {  	v33 =	vld.idx.msk [tilespmem:v15+s18+$0x0], $0xffff  }
0xae: {  	v28 =	vmul.f32 v28, v13;
	v12 =	vld.idx.msk [tilespmem:v14+s18+$0x0], $0xffff  }
0xaf: {  	v13 =	vld.idx.msk [tilespmem:v14+s19+$0x0], $0xffff  }
0xb0: {  	v34 =	vld.idx.msk [tilespmem:v14+s17+$0x0], $0xffff  }
0xb1: {  	v35 =	vld.idx.msk [tilespmem:v19+s18+$0x0], $0xffff  }
0xb2: {  	v36 =	vld.idx.msk [tilespmem:v19+s19+$0x0], $0xffff  }
0xb3: {  	v14 =	vld.idx.msk [tilespmem:v21+s18+$0x0], $0xffff  }
0xb4: {  	v15 =	vld.idx.msk [tilespmem:v21+s19+$0x0], $0xffff  }
0xb5: {  	v22 =	vmul.f32 v22, v26;
	v37 =	vld.idx.msk [tilespmem:v1+s17+$0x0], $0xffff  }
0xb6: {  	v26 =	vmul.f32 v29, v31;
	v29 =	vmul.f32 v32, v34;
	v21 =	vld.idx.msk [tilespmem:v21+s17+$0x0], $0xffff  }
0xb7: {  	v31 =	vld.idx.msk [tilespmem:v16+s17+$0x0], $0xffff  }
0xb8: {  	v32 =	vld.idx.msk [tilespmem:v4+s17+$0x0], $0xffff  }
0xb9: {  	v19 =	vld.idx.msk [tilespmem:v19+s17+$0x0], $0xffff  }
0xba: {  	v20 =	vmul.f32 v20, v23;
	[tilespmem:s29+$0xFFFFFFC0] =	vst v22  }
0xbb: {  	v22 =	vmul.f32 v37, v27;
	[tilespmem:s29+$0xFFFFFFE0] =	vst v26  }
0xbc: {  	[tilespmem:s29+$0x10] =	vst v20  }
0xbd: {  	[tilespmem:s29+$0x30] =	vst v22  }
0xbe: {  	v20 =	vmul.f32 v32, v21;
	[tilespmem:s29+$0xFFFFFFF0] =	vst v28  }
0xbf: {  	v19 =	vmul.f32 v31, v19;
	[tilespmem:s29+$0x20] =	vst v29  }
0xc0: {  	[tilespmem:s29+$0x0] =	vst v20  }
0xc1: {  	[tilespmem:s29+$0xFFFFFFD0] =	vst v19  }
0xc2: {  	[tilespmem:v18+s21+$0x0] =	vst.idx.add.f32.msk $0xffff, v25  }
.Ltmp2:
0xc3: {  	[tilespmem:v18+s22+$0x0] =	vst.idx.add.f32.msk $0xffff, v24;
	(pc) =	sbr.rel @p1 .LBB2_4-.Ltmp2, $4  }
0xc4: {  	[tilespmem:v16+s21+$0x0] =	vst.idx.add.f32.msk $0xffff, v35  }
0xc5: {  	[tilespmem:v16+s22+$0x0] =	vst.idx.add.f32.msk $0xffff, v36  }
0xc6: {  	[tilespmem:v17+s21+$0x0] =	vst.idx.add.f32.msk $0xffff, v33  }
0xc7: {  	[tilespmem:v17+s22+$0x0] =	vst.idx.add.f32.msk $0xffff, v30  }
.LBB2_5:
0xc8: {  	_ =	sdelay $0x3  }
0xc9: {  	[tilespmem:v7+s21+$0x0] =	vst.idx.add.f32.msk $0xffff, v11  }
0xca: {  	[tilespmem:v7+s22+$0x0] =	vst.idx.add.f32.msk $0xffff, v9  }
0xcb: {  	[tilespmem:v4+s21+$0x0] =	vst.idx.add.f32.msk $0xffff, v14  }
0xcc: {  	[tilespmem:v4+s22+$0x0] =	vst.idx.add.f32.msk $0xffff, v15  }
0xcd: {  	[tilespmem:v2+s21+$0x0] =	vst.idx.add.f32.msk $0xffff, v6  }
0xce: {  	[tilespmem:v2+s22+$0x0] =	vst.idx.add.f32.msk $0xffff, v5  }
0xcf: {  	[tilespmem:v3+s21+$0x0] =	vst.idx.add.f32.msk $0xffff, v12  }
0xd0: {  	[tilespmem:v3+s22+$0x0] =	vst.idx.add.f32.msk $0xffff, v13  }
0xd1: {  	[tilespmem:v1+s21+$0x0] =	vst.idx.add.f32.msk $0xffff, v10  }
0xd2: {  	[tilespmem:v1+s22+$0x0] =	vst.idx.add.f32.msk $0xffff, v8  }
0xd3: {  	[hbm4b:s8+s3] =	stream.linear.scatter [tilespmem:s9], [sflag:$0x2], $0x2700, $0x38;
	[tilespmem:$0x13C00] =	vst v63  }
0xd4: {  	_ =	swait.ge [sflag:s23], $0x2700  }
0xd5: {  	[sflag:s23] =	ssyncset.done $0x0  }
0xd6: {  	s28 =	simm.s32 @!p0 $0x0;
	[sflag:s23] =	ssyncadd.s32 $0xFFFFD900  }
0xd7: {  	[hbm4b:s10+s28] =	stream.linear.scatter @!p0 [tilespmem:s11], [sflag:$0x2], $0x80, $0x38;
	[tilespmem:$0x13C00] =	vst v63  }
0xd8: {  	s28 =	simm.s32 @!p0 $0x2  }
0xd9: {  	_ =	swait.ge @!p0 [sflag:s28], $0x80  }
0xda: {  	[sflag:s28] =	ssyncset.done @!p0 $0x0  }
0xdb: {  	[sflag:s28] =	ssyncadd.s32 @!p0 $0xFFFFFF80  }
0xdc: {  	[hbm4b:s12+s24] =	stream.strided.scatter [tilespmem:s21], [sflag:$0x2], $0x2780, s25, s24, $0x38;
	[tilespmem:$0x13C00] =	vst v63  }
0xdd: {  	s26 =	sadd.s32 $0x1, s26;
	_ =	swait.ge [sflag:s23], $0x2780  }
0xde: {  	p1 =	sne.s32 s26, s14;
	[sflag:s23] =	ssyncset.done $0x0  }
.Ltmp3:
0xdf: {  	[sflag:s23] =	ssyncadd.s32 $0xFFFFD880;
	(pc) =	sbr.rel @p1 .LBB2_1-.Ltmp3, $4  }
0xe0: {  	[hbm4b:s13+s24] =	stream.strided.scatter [tilespmem:s22], [sflag:$0x2], $0x2780, s25, s24, $0x38;
	[tilespmem:$0x13C00] =	vst v63  }
0xe1: {  	_ =	swait.ge [sflag:s23], $0x2780  }
0xe2: {  	[sflag:s23] =	ssyncset.done $0x0  }
0xe3: {  	[sflag:s23] =	ssyncadd.s32 $0xFFFFD880  }
0xe4: {  	_ =	sfence.sel $0x180000  }
0xe5: {  	[bflag:$0x0] =	sbarrier.arrive $0xFFFF  }
0xe6: {  	p0 =	sne.s32 s1, $0x0;
	_ =	strace $0x90000047  }
0xe7: {  	s0 =	sadd.s32 @!p0 $0x100000, s0;
	[bflag:$0x2] =	sbarrier.arrive $0xFFFF  }
0xe8: {  	[sflag:s0] =	ssyncadd.tile.s32 @!p0 $0x1;
	_ =	shalt  }
.Lfunc_end2:
_tile_overlayer_lowered:
.L_overlay_start_2:
0xe9: {  	(tag) =	ssettag $0x2  }
0xea: {  	s0 =	rddreg [dreg:$0x0];
	s2 =	stileid.u32  }
0xeb: {  	s1 =	rddreg [dreg:$0x1];
	p0 =	sne.s32 s2, $0x0  }
0xec: {  	s3 =	rddreg [dreg:$0x2];
	[bflag:$0x3] =	sbarrier.arrive $0xFFFF;
	s2 =	simm.s32 @!p0 $0x1C02  }
0xed: {  	[timem:s3], [sflag:s2] =	dma.local @!p0 [hbm:s0], s1  }
0xee: {  	s0 =	simm.s32 @!p0 $0x2  }
0xef: {  	_ =	swait.ge @!p0 [sflag:s0], s1  }
0xf0: {  	s1 =	ssub.s32 @!p0 $0x0, s1;
	[sflag:s0] =	ssyncset.done @!p0 $0x0  }
0xf1: {  	[sflag:s0] =	ssyncadd.s32 @!p0 s1  }
0xf2: {  	[bflag:$0x3] =	sbarrier.arrive $0xFFFF  }
0xf3: {  	_ =	shalt  }

</sc_bundles>
